<compile_context>
chip_gen: v7x
topology: tpu7x:2x2x1
jax: 0.10.2.dev20260603
libtpu: 0.0.44.dev20260713+nightly
codegen_flags: <defaults>
</compile_context>

<pallas_src>
import functools

import jax
import jax.numpy as jnp
from jax import lax
from jax.experimental import pallas as pl
from jax.experimental.pallas import tpu as pltpu
from jax.experimental.pallas import tpu_sc as plsc

N = 50000
LATENT = 128
HIDDEN = 256
EMB = 24
C = 1000
K_SUPER = 10
K_BIP = 3
RSQ = 1.0

NW = 32

MEANS_CHUNKS = 13
MEANS_ROWS_W = MEANS_CHUNKS * 128
N_PAD1 = NW * MEANS_ROWS_W

SUP_CHUNKS = 37
SUP_ROWS_W = SUP_CHUNKS * 128
E_PAD = NW * SUP_ROWS_W

BLK = 400
NBLK = N // BLK


def _k1_body(x_ref, e_ref, noise_ref, wc1_ref, bc1_ref, wc2_ref, bc2_ref,
             wn1_ref, bn1_ref, wn2_ref, bn2_ref, centt_ref,
             emb_ref, cl_ref, msg_ref):
    x = x_ref[...]
    h = jnp.maximum(x @ wc1_ref[...] + bc1_ref[...], 0.0)
    o = h @ wc2_ref[...] + bc2_ref[...]
    nrm = jnp.sqrt(jnp.sum(o * o, axis=1, keepdims=True))
    emb = o / jnp.maximum(nrm, 1e-12)
    emb_ref[...] = emb
    logits = (emb * noise_ref[...]) @ centt_ref[...]
    mx = jnp.max(logits, axis=1, keepdims=True)
    iota = lax.broadcasted_iota(jnp.int32, logits.shape, 1)
    cl = jnp.min(jnp.where(logits == mx, iota, C), axis=1)
    cl_ref[...] = cl[:, None]
    e = e_ref[...]
    h2 = jnp.maximum(e @ wn1_ref[...] + bn1_ref[...], 0.0)
    msg_ref[...] = jnp.maximum(h2 @ wn2_ref[...] + bn2_ref[...], 0.0)


def _run_k1(embedded, encoded, noise, Wc1, bc1, Wc2, bc2, Wn1, Bn1, Wn2, Bn2,
            centT):
    full = lambda b: (0, 0)
    return pl.pallas_call(
        _k1_body,
        grid=(NBLK,),
        in_specs=[
            pl.BlockSpec((BLK, LATENT), lambda b: (b, 0)),
            pl.BlockSpec((BLK, LATENT), lambda b: (b, 0)),
            pl.BlockSpec((BLK, 1), lambda b: (b, 0)),
            pl.BlockSpec((LATENT, HIDDEN), full),
            pl.BlockSpec((1, HIDDEN), full),
            pl.BlockSpec((HIDDEN, EMB), full),
            pl.BlockSpec((1, EMB), full),
            pl.BlockSpec((LATENT, HIDDEN), full),
            pl.BlockSpec((1, HIDDEN), full),
            pl.BlockSpec((HIDDEN, LATENT), full),
            pl.BlockSpec((1, LATENT), full),
            pl.BlockSpec((EMB, C), full),
        ],
        out_specs=[
            pl.BlockSpec((BLK, EMB), lambda b: (b, 0)),
            pl.BlockSpec((BLK, 1), lambda b: (b, 0)),
            pl.BlockSpec((BLK, LATENT), lambda b: (b, 0)),
        ],
        out_shape=[
            jax.ShapeDtypeStruct((N, EMB), jnp.float32),
            jax.ShapeDtypeStruct((N, 1), jnp.int32),
            jax.ShapeDtypeStruct((N, LATENT), jnp.float32),
        ],
    )(embedded, encoded, noise, Wc1, bc1, Wc2, bc2, Wn1, Bn1, Wn2, Bn2, centT)


def _make_sc_segsum(n_chunks, rows_w, d):
    mesh = plsc.VectorSubcoreMesh(core_axis_name="c", subcore_axis_name="s")

    @functools.partial(
        pl.kernel,
        out_type=jax.ShapeDtypeStruct((2, C, d), jnp.float32),
        mesh=mesh,
        scratch_types=[
            pltpu.VMEM((n_chunks, 128), jnp.int32),
            pltpu.VMEM((128, d), jnp.float32),
            pltpu.VMEM_SHARED((C, d), jnp.float32),
        ],
    )
    def segsum(data_hbm, idx_hbm, zero_hbm, out_hbm, idx_v, buf_v, acc_sh):
        cid = lax.axis_index("c")
        sid = lax.axis_index("s")
        wid = sid * 2 + cid

        @pl.when(sid == 0)
        def _init():
            pltpu.sync_copy(zero_hbm, acc_sh)

        plsc.subcore_barrier()
        pltpu.sync_copy(idx_hbm.at[wid], idx_v)

        def body(j, carry):
            base = wid * rows_w + j * 128
            pltpu.sync_copy(data_hbm.at[pl.ds(base, 128)], buf_v)
            pltpu.sync_copy(buf_v, acc_sh.at[idx_v.at[j]], add=True)
            return carry

        lax.fori_loop(0, n_chunks, body, 0)
        plsc.subcore_barrier()

        @pl.when(sid == 0)
        def _flush():
            pltpu.sync_copy(acc_sh, out_hbm.at[cid])

    return segsum


@functools.lru_cache(maxsize=None)
def _sc_segsum_cached(n_chunks, rows_w, d):
    return _make_sc_segsum(n_chunks, rows_w, d)


def _sc_segsum_means(data, idx, zero):
    return _sc_segsum_cached(MEANS_CHUNKS, MEANS_ROWS_W, 128)(data, idx, zero)


def _sc_segsum_super(data, idx, zero):
    return _sc_segsum_cached(SUP_CHUNKS, SUP_ROWS_W, LATENT)(data, idx, zero)


def _k3a_body(p_ref, means_ref):
    p = p_ref[0] + p_ref[1]
    s = p[:, :EMB]
    cnt = p[:, EMB:EMB + 1]
    m = s / jnp.maximum(cnt, 1.0)
    nrm = jnp.sqrt(jnp.sum(m * m, axis=1, keepdims=True))
    means_ref[...] = m / jnp.maximum(nrm, 1e-12)


def _run_k3a(partials):
    return pl.pallas_call(
        _k3a_body,
        out_shape=jax.ShapeDtypeStruct((C, EMB), jnp.float32),
    )(partials)


def _k3b_body(means_ref, meanst_ref, g_ref, b_ref, idx_ref, w_ref):
    means = means_ref[...]
    g = means @ meanst_ref[...]
    ss = jnp.sum(means * means, axis=1, keepdims=True)
    sst = jnp.sum(meanst_ref[...] * meanst_ref[...], axis=0, keepdims=True)
    d2 = ss - 2.0 * g + sst
    cur = -d2
    iota = lax.broadcasted_iota(jnp.int32, (C, C), 1)
    idxs, liks, vals = [], [], []
    for _ in range(K_SUPER):
        mx = jnp.max(cur, axis=1, keepdims=True)
        sel = jnp.min(jnp.where(cur == mx, iota, C), axis=1)
        onehot = iota == sel[:, None]
        idxs.append(sel[:, None])
        liks.append(jnp.sum(jnp.where(onehot, g, 0.0), axis=1, keepdims=True))
        vals.append((-mx <= RSQ).astype(jnp.float32))
        cur = jnp.where(onehot, -jnp.inf, cur)
    lik = jnp.concatenate(liks, axis=1)
    val = jnp.concatenate(vals, axis=1)
    m = jnp.mean(lik)
    v = jnp.mean((lik - m) ** 2)
    z = (lik - m) / jnp.sqrt(v + 1e-5) * g_ref[0, 0] + b_ref[0, 0]
    w_ref[...] = jax.nn.sigmoid(z) * val
    idx_ref[...] = jnp.concatenate(idxs, axis=1)


def _run_k3b(means, meansT, bnw, bnb):
    return pl.pallas_call(
        _k3b_body,
        out_shape=[
            jax.ShapeDtypeStruct((C, K_SUPER), jnp.int32),
            jax.ShapeDtypeStruct((C, K_SUPER), jnp.float32),
        ],
    )(means, meansT, bnw, bnb)


def _k4_body(emb_ref, meanst_ref, idx_ref, lik_ref, val_ref, part_ref):
    e = emb_ref[...]
    logits = e @ meanst_ref[...]
    ss = jnp.sum(e * e, axis=1, keepdims=True)
    sst = jnp.sum(meanst_ref[...] * meanst_ref[...], axis=0, keepdims=True)
    d2 = ss - 2.0 * logits + sst
    cur = -d2
    iota = lax.broadcasted_iota(jnp.int32, (BLK, C), 1)
    idxs, liks, vals = [], [], []
    for _ in range(K_BIP):
        mx = jnp.max(cur, axis=1, keepdims=True)
        sel = jnp.min(jnp.where(cur == mx, iota, C), axis=1)
        onehot = iota == sel[:, None]
        idxs.append(sel[:, None])
        liks.append(jnp.sum(jnp.where(onehot, logits, 0.0), axis=1,
                            keepdims=True))
        vals.append((-mx <= RSQ).astype(jnp.float32))
        cur = jnp.where(onehot, -jnp.inf, cur)
    lik = jnp.concatenate(liks, axis=1)
    idx_ref[...] = jnp.concatenate(idxs, axis=1)
    lik_ref[...] = lik
    val_ref[...] = jnp.concatenate(vals, axis=1)
    s = jnp.sum(lik)
    s2 = jnp.sum(lik * lik)
    part_ref[...] = jnp.concatenate(
        [jnp.full((1, 1, 1), s), jnp.full((1, 1, 1), s2),
         jnp.zeros((1, 1, 6), jnp.float32)], axis=2)


def _run_k4(emb, meansT):
    return pl.pallas_call(
        _k4_body,
        grid=(NBLK,),
        in_specs=[
            pl.BlockSpec((BLK, EMB), lambda b: (b, 0)),
            pl.BlockSpec((EMB, C), lambda b: (0, 0)),
        ],
        out_specs=[
            pl.BlockSpec((BLK, K_BIP), lambda b: (b, 0)),
            pl.BlockSpec((BLK, K_BIP), lambda b: (b, 0)),
            pl.BlockSpec((BLK, K_BIP), lambda b: (b, 0)),
            pl.BlockSpec((1, 1, 8), lambda b: (b, 0, 0)),
        ],
        out_shape=[
            jax.ShapeDtypeStruct((N, K_BIP), jnp.int32),
            jax.ShapeDtypeStruct((N, K_BIP), jnp.float32),
            jax.ShapeDtypeStruct((N, K_BIP), jnp.float32),
            jax.ShapeDtypeStruct((NBLK, 1, 8), jnp.float32),
        ],
    )(emb, meansT)


def _k5_body(lik_ref, val_ref, msg_ref, part_ref, g_ref, b_ref,
             wn_ref, scaled_ref):
    p = part_ref[...]
    s = jnp.sum(p[:, :, 0])
    s2 = jnp.sum(p[:, :, 1])
    cnt = float(N * K_BIP)
    m = s / cnt
    v = s2 / cnt - m * m
    lik = lik_ref[...]
    z = (lik - m) / jnp.sqrt(v + 1e-5) * g_ref[0, 0] + b_ref[0, 0]
    w = jnp.exp(z) * val_ref[...]
    den = jnp.sum(w, axis=1, keepdims=True)
    wn = w / (1e-12 + den)
    wn_ref[...] = wn
    msg = msg_ref[...]
    scaled_ref[...] = jnp.concatenate(
        [msg * wn[:, k:k + 1] for k in range(K_BIP)], axis=1)


def _run_k5(lik, val, msg, part, bnw, bnb):
    return pl.pallas_call(
        _k5_body,
        grid=(NBLK,),
        in_specs=[
            pl.BlockSpec((BLK, K_BIP), lambda b: (b, 0)),
            pl.BlockSpec((BLK, K_BIP), lambda b: (b, 0)),
            pl.BlockSpec((BLK, LATENT), lambda b: (b, 0)),
            pl.BlockSpec((NBLK, 1, 8), lambda b: (0, 0, 0)),
            pl.BlockSpec((1, 1), lambda b: (0, 0)),
            pl.BlockSpec((1, 1), lambda b: (0, 0)),
        ],
        out_specs=[
            pl.BlockSpec((BLK, K_BIP), lambda b: (b, 0)),
            pl.BlockSpec((BLK, K_BIP * LATENT), lambda b: (b, 0)),
        ],
        out_shape=[
            jax.ShapeDtypeStruct((N, K_BIP), jnp.float32),
            jax.ShapeDtypeStruct((N, K_BIP * LATENT), jnp.float32),
        ],
    )(lik, val, msg, part, bnw, bnb)


SE_BLK_C = 200
SE_BLK_E = SE_BLK_C * K_SUPER


def _k7_body(pb_ref, pf_ref, idx_ref, we1_ref, be1_ref, we2_ref, be2_ref,
             sup_ref, se1_ref, se2_ref):
    sn_full = pf_ref[0] + pf_ref[1]
    snblk = pb_ref[0] + pb_ref[1]
    sup_ref[...] = snblk
    idxv = idx_ref[0]
    iota_c = lax.broadcasted_iota(jnp.int32, (SE_BLK_E, C), 1)
    gsel = (iota_c == idxv).astype(jnp.float32)
    gat = gsel @ sn_full
    iota_e = lax.broadcasted_iota(jnp.int32, (SE_BLK_E, SE_BLK_C), 0)
    iota_i = lax.broadcasted_iota(jnp.int32, (SE_BLK_E, SE_BLK_C), 1)
    rsel = ((iota_e // K_SUPER) == iota_i).astype(jnp.float32)
    rep = rsel @ snblk
    we1 = we1_ref[...]
    w1a = we1[:LATENT]
    w1b = we1[LATENT:]
    be1 = be1_ref[...]
    h1 = jnp.maximum(rep @ w1a + gat @ w1b + be1, 0.0)
    se1_ref[...] = jnp.maximum(h1 @ we2_ref[...] + be2_ref[...], 0.0)
    h2 = jnp.maximum(gat @ w1a + rep @ w1b + be1, 0.0)
    se2_ref[...] = jnp.maximum(h2 @ we2_ref[...] + be2_ref[...], 0.0)


def _run_k7(partials, idx3, We1, Be1, We2, Be2):
    nb = C // SE_BLK_C
    ne = C * K_SUPER
    return pl.pallas_call(
        _k7_body,
        grid=(nb,),
        in_specs=[
            pl.BlockSpec((2, SE_BLK_C, LATENT), lambda b: (0, b, 0)),
            pl.BlockSpec((2, C, LATENT), lambda b: (0, 0, 0)),
            pl.BlockSpec((1, SE_BLK_E, 1), lambda b: (b, 0, 0)),
            pl.BlockSpec((2 * LATENT, HIDDEN), lambda b: (0, 0)),
            pl.BlockSpec((1, HIDDEN), lambda b: (0, 0)),
            pl.BlockSpec((HIDDEN, LATENT), lambda b: (0, 0)),
            pl.BlockSpec((1, LATENT), lambda b: (0, 0)),
        ],
        out_specs=[
            pl.BlockSpec((SE_BLK_C, LATENT), lambda b: (b, 0)),
            pl.BlockSpec((SE_BLK_E, LATENT), lambda b: (b, 0)),
            pl.BlockSpec((SE_BLK_E, LATENT), lambda b: (b, 0)),
        ],
        out_shape=[
            jax.ShapeDtypeStruct((C, LATENT), jnp.float32),
            jax.ShapeDtypeStruct((ne, LATENT), jnp.float32),
            jax.ShapeDtypeStruct((ne, LATENT), jnp.float32),
        ],
    )(partials, partials, idx3, We1, Be1, We2, Be2)


def kernel(embedded_nodes, encoded_nodes, Wc1, bc1, Wc2, bc2, Wn1, Bn1, Wn2,
           Bn2, We1, Be1, We2, Be2, bn_super_w, bn_super_b, bn_bip_w,
           bn_bip_b, centroids):
    f32 = jnp.float32
    noise = 1.0 + 0.005 * jax.random.normal(jax.random.key(42), (N,), f32)
    emb, cl, msg = _run_k1(
        embedded_nodes, encoded_nodes, noise[:, None],
        Wc1, bc1[None, :], Wc2, bc2[None, :],
        Wn1, Bn1[None, :], Wn2, Bn2[None, :], centroids.T)

    data1 = jnp.pad(
        jnp.concatenate([emb, jnp.ones((N, 1), f32)], axis=1),
        ((0, N_PAD1 - N), (0, 128 - EMB - 1)))
    idx1 = jnp.pad(cl[:, 0], (0, N_PAD1 - N)).reshape(NW, MEANS_CHUNKS, 128)
    part1 = _sc_segsum_means(data1, idx1, jnp.zeros((C, 128), f32))

    means = _run_k3a(part1)
    meansT = means.T
    idx_s, w_sup = _run_k3b(means, meansT,
                            bn_super_w[:, None], bn_super_b[:, None])

    idx_b, lik_b, val_b, part_b = _run_k4(emb, meansT)
    wn, scaled = _run_k5(lik_b, val_b, msg, part_b,
                         bn_bip_w[:, None], bn_bip_b[:, None])

    rows = scaled.reshape(N * K_BIP, LATENT)
    data2 = jnp.pad(rows, ((0, E_PAD - N * K_BIP), (0, 0)))
    idx2 = jnp.pad(idx_b.reshape(-1),
                   (0, E_PAD - N * K_BIP)).reshape(NW, SUP_CHUNKS, 128)
    part2 = _sc_segsum_super(data2, idx2, jnp.zeros((C, LATENT), f32))

    idx3 = idx_s.reshape(C // SE_BLK_C, SE_BLK_E, 1)
    supernodes, se1, se2 = _run_k7(part2, idx3, We1, Be1[None, :],
                                   We2, Be2[None, :])
    superedges = jnp.concatenate([se1, se2], axis=0)

    src_s = jnp.repeat(jnp.arange(C, dtype=jnp.int32), K_SUPER)
    dst_s = idx_s.reshape(-1)
    sg = jnp.stack([jnp.concatenate([src_s, dst_s]),
                    jnp.concatenate([dst_s, src_s])])
    wf = w_sup.reshape(-1)
    super_edge_weights = jnp.concatenate([wf, wf])[:, None]

    src_b = jnp.repeat(jnp.arange(N, dtype=jnp.int32), K_BIP)
    bg = jnp.stack([src_b, idx_b.reshape(-1)])
    bipartite_edge_weights = wn.reshape(-1)[:, None]

    return (emb, supernodes, superedges, bg, bipartite_edge_weights, sg,
            super_edge_weights)

# --- scband reference (transcript-rebuilt; emitter-appended) ---
"""Pipeline reference for scband-super-graph-construction-42279658062320 (READ-ONLY COPY).

The authoritative reference and input builder live on the scoring server;
editing this copy changes nothing except your own understanding.
"""

import jax, jax.numpy as jnp
import numpy as np

N = 50000
LATENT = 128
HIDDEN = 256
EMB = 24
C = 1000
K_SUPER = 10
K_BIP = 3
R = 1.0


def _l2norm(x):
    return x / jnp.maximum(jnp.linalg.norm(x, axis=-1, keepdims=True), 1e-12)


def _mlp2(x, W1, b1, W2, b2, out_act):
    h = jnp.maximum(x @ W1 + b1, 0.0)
    o = h @ W2 + b2
    if out_act:
        o = jnp.maximum(o, 0.0)
    return o


def _batchnorm1(x, w, b, eps=1e-5):
    m = jnp.mean(x)
    v = jnp.var(x)
    return (x - m) / jnp.sqrt(v + eps) * w[0] + b[0]


def _knn(src, dst, k, r):
    # radius-limited kNN (FRNN find_neighbors substitute); indices are no_grad
    src = jax.lax.stop_gradient(src)
    dst = jax.lax.stop_gradient(dst)
    d2 = (jnp.sum(src * src, axis=1, keepdims=True)
          - 2.0 * (src @ dst.T)
          + jnp.sum(dst * dst, axis=1)[None, :])
    neg_d2, idx = jax.lax.top_k(-d2, k)
    valid = (-neg_d2) <= r * r
    return idx, valid


def setup_inputs(seed: int = 0):
    key = jax.random.key(seed)
    ks = jax.random.split(key, 12)

    def w(k, shape):
        return jax.random.normal(k, shape, dtype=jnp.float32) * 0.05

    inp = {}
    inp["embedded_nodes"] = jax.random.normal(ks[0], (N, LATENT), dtype=jnp.float32)
    inp["encoded_nodes"] = jax.random.normal(ks[1], (N, LATENT), dtype=jnp.float32)
    inp["Wc1"] = w(ks[2], (LATENT, HIDDEN)); inp["bc1"] = jnp.zeros((HIDDEN,), jnp.float32)
    inp["Wc2"] = w(ks[3], (HIDDEN, EMB)); inp["bc2"] = jnp.zeros((EMB,), jnp.float32)
    inp["Wn1"] = w(ks[4], (LATENT, HIDDEN)); inp["Bn1"] = jnp.zeros((HIDDEN,), jnp.float32)
    inp["Wn2"] = w(ks[5], (HIDDEN, LATENT)); inp["Bn2"] = jnp.zeros((LATENT,), jnp.float32)
    inp["We1"] = w(ks[6], (2 * LATENT, HIDDEN)); inp["Be1"] = jnp.zeros((HIDDEN,), jnp.float32)
    inp["We2"] = w(ks[7], (HIDDEN, LATENT)); inp["Be2"] = jnp.zeros((LATENT,), jnp.float32)
    inp["bn_super_w"] = jnp.ones((1,), jnp.float32)
    inp["bn_super_b"] = jnp.zeros((1,), jnp.float32)
    inp["bn_bip_w"] = jnp.ones((1,), jnp.float32)
    inp["bn_bip_b"] = jnp.zeros((1,), jnp.float32)
    inp["centroids"] = _l2norm(jax.random.normal(ks[8], (C, EMB), dtype=jnp.float32))
    return inp


def _forward(embedded_nodes, encoded_nodes, Wc1, bc1, Wc2, bc2, Wn1, Bn1, Wn2, Bn2,
             We1, Be1, We2, Be2, bn_super_w, bn_super_b, bn_bip_w, bn_bip_b, centroids):
    embeddings = _l2norm(_mlp2(embedded_nodes, Wc1, bc1, Wc2, bc2, False))
    # clustering (HDBSCAN substitute: jittered assignment to fixed centroids), no_grad
    noise = 1.0 + 0.005 * jax.random.normal(jax.random.key(42), (embeddings.shape[0],), dtype=jnp.float32)
    clustering_input = jax.lax.stop_gradient(embeddings * noise[:, None])
    clusters = jnp.argmax(clustering_input @ centroids.T, axis=1)
    # scatter_mean of embeddings into cluster means
    sums = jax.ops.segment_sum(embeddings, clusters, num_segments=C)
    cnts = jax.ops.segment_sum(jnp.ones((embeddings.shape[0],), jnp.float32), clusters, num_segments=C)
    means = _l2norm(sums / jnp.maximum(cnts[:, None], 1.0))
    # super graph: symmetric radius-kNN among means, sigmoid weights, no norm
    idx_s, val_s = _knn(means, means, K_SUPER, R)
    src_s = jnp.repeat(jnp.arange(C), K_SUPER)
    dst_s = idx_s.reshape(-1)
    mask_s = jnp.concatenate([val_s.reshape(-1), val_s.reshape(-1)]).astype(jnp.float32)
    sg = jnp.stack([jnp.concatenate([src_s, dst_s]), jnp.concatenate([dst_s, src_s])])
    lik_s = jnp.einsum('ij,ij->i', means[sg[0]], means[sg[1]])
    super_edge_weights = (jax.nn.sigmoid(_batchnorm1(lik_s, bn_super_w, bn_super_b)) * mask_s)[:, None]
    # bipartite graph: radius-kNN nodes -> means, exp weights, normalized per src node
    idx_b, val_b = _knn(embeddings, means, K_BIP, R)
    src_b = jnp.repeat(jnp.arange(embeddings.shape[0]), K_BIP)
    dst_b = idx_b.reshape(-1)
    mask_b = val_b.reshape(-1).astype(jnp.float32)
    bg = jnp.stack([src_b, dst_b])
    lik_b = jnp.einsum('ij,ij->i', embeddings[bg[0]], means[bg[1]])
    w_b = jnp.exp(_batchnorm1(lik_b, bn_bip_w, bn_bip_b)) * mask_b
    denom = jax.ops.segment_sum(w_b, bg[0], num_segments=embeddings.shape[0])
    w_b = w_b / (1e-12 + denom[bg[0]])
    bipartite_edge_weights = w_b[:, None]
    # supernode aggregation and superedge encoding
    node_messages = _mlp2(encoded_nodes, Wn1, Bn1, Wn2, Bn2, True)
    supernodes = jax.ops.segment_sum(node_messages[bg[0]] * bipartite_edge_weights, bg[1], num_segments=C)
    superedges = _mlp2(jnp.concatenate([supernodes[sg[0]], supernodes[sg[1]]], axis=1), We1, Be1, We2, Be2, True)
    return embeddings, supernodes, superedges, bg, bipartite_edge_weights, sg, super_edge_weights


def reference(embedded_nodes, encoded_nodes, Wc1, bc1, Wc2, bc2, Wn1, Bn1, Wn2, Bn2,
              We1, Be1, We2, Be2, bn_super_w, bn_super_b, bn_bip_w, bn_bip_b, centroids):
    return _forward(embedded_nodes, encoded_nodes, Wc1, bc1, Wc2, bc2, Wn1, Bn1, Wn2, Bn2,
                    We1, Be1, We2, Be2, bn_super_w, bn_super_b, bn_bip_w, bn_bip_b, centroids)

if __name__ == "__main__":
    import jax
    _d = setup_inputs()
    print(jax.jit(kernel)(*tuple(_d.values())))

</pallas_src>

<mosaic_0001>
#map = affine_map<(d0, d1) -> (0, 0)>
#map1 = affine_map<(d0, d1) -> (0, 0, 0)>
module attributes {stable_mosaic.version = 14 : i64} {
  func.func @segsum(%arg0: i32, %arg1: i32, %arg2: memref<151552x128xf32, #tpu.memory_space<hbm>>, %arg3: memref<32x37x128xi32, #tpu.memory_space<hbm>>, %arg4: memref<1000x128xf32, #tpu.memory_space<hbm>>, %arg5: memref<2x1000x128xf32, #tpu.memory_space<hbm>>, %arg6: memref<37x128xi32, #tpu.memory_space<vmem>>, %arg7: memref<128x128xf32, #tpu.memory_space<vmem>>, %arg8: memref<1000x128xf32, #tpu.memory_space<vmem_shared>>) attributes {dimension_semantics = [#tpu.dimension_semantics<core_parallel>, #tpu.dimension_semantics<subcore_parallel>], iteration_bounds = array<i64: 2, 16>, scalar_prefetch = 0 : i64, scratch_operands = 3 : i64, tpu.core_type = #tpu.core_type<sc_vector_subcore>, window_params = [{transform_indices = #map}, {transform_indices = #map1}, {transform_indices = #map}, {transform_indices = #map1}]} {
    %mul3A = arith.constant 2 : i32
    %mul3A_0 = arith.muli %arg1, %mul3A : i32
    %add3A = arith.addi %mul3A_0, %arg0 : i32
    %eq3A = arith.constant 0 : i32
    %eq3A_1 = arith.cmpi eq, %arg1, %eq3A : i32
    %convert_element_type3A = arith.extui %eq3A_1 : i1 to i32
    %cond3A = arith.constant 0 : i32
    %cond3A_2 = arith.cmpi ne, %convert_element_type3A, %cond3A : i32
    scf.if %cond3A_2 {
      "tpu.region"() ({
        %run_scoped3A = tpu.sem_alloc : memref<!tpu.dma_semaphore, #tpu.memory_space<semaphore_mem>>
        tpu.enqueue_dma source(%arg4 : memref<1000x128xf32, #tpu.memory_space<hbm>>) target(%arg8 : memref<1000x128xf32, #tpu.memory_space<vmem_shared>>) target_semaphore(%run_scoped3A : memref<!tpu.dma_semaphore, #tpu.memory_space<semaphore_mem>>)
        tpu.wait_dma2 semaphore(%run_scoped3A : memref<!tpu.dma_semaphore, #tpu.memory_space<semaphore_mem>>) src(%arg4 : memref<1000x128xf32, #tpu.memory_space<hbm>>) dst(%arg8 : memref<1000x128xf32, #tpu.memory_space<vmem_shared>>)
        tpu.yield
      }) : () -> ()
    } else {
    }
    %barrier3A = arith.constant 0 : index
    tpu.barrier barrier_id(%barrier3A)
    "tpu.region"() ({
      %run_scoped3A = tpu.sem_alloc : memref<!tpu.dma_semaphore, #tpu.memory_space<semaphore_mem>>
      %dma_start3A = arith.constant 0 : i32
      %dma_start3A_14 = arith.constant 0 : i32
      %dma_start3A_15 = tpu.memref_slice %arg3[%add3A, %dma_start3A, %dma_start3A_14] : memref<32x37x128xi32, #tpu.memory_space<hbm>> -> memref<1x37x128xi32, #tpu.memory_space<hbm>>
      %dma_start3A_16 = tpu.memref_squeeze %dma_start3A_15 : memref<1x37x128xi32, #tpu.memory_space<hbm>> -> memref<37x128xi32, #tpu.memory_space<hbm>>
      %dma_start3A_17 = arith.constant 0 : i32
      %dma_start3A_18 = arith.constant 0 : i32
      %dma_start3A_19 = tpu.memref_slice %arg3[%add3A, %dma_start3A_17, %dma_start3A_18] : memref<32x37x128xi32, #tpu.memory_space<hbm>> -> memref<1x37x128xi32, #tpu.memory_space<hbm>>
      %dma_start3A_20 = tpu.memref_squeeze %dma_start3A_19 : memref<1x37x128xi32, #tpu.memory_space<hbm>> -> memref<37x128xi32, #tpu.memory_space<hbm>>
      tpu.enqueue_dma source(%dma_start3A_20 : memref<37x128xi32, #tpu.memory_space<hbm>>) target(%arg6 : memref<37x128xi32, #tpu.memory_space<vmem>>) target_semaphore(%run_scoped3A : memref<!tpu.dma_semaphore, #tpu.memory_space<semaphore_mem>>)
      %dma_wait3A = arith.constant 0 : i32
      %dma_wait3A_21 = arith.constant 0 : i32
      %dma_wait3A_22 = tpu.memref_slice %arg3[%add3A, %dma_wait3A, %dma_wait3A_21] : memref<32x37x128xi32, #tpu.memory_space<hbm>> -> memref<1x37x128xi32, #tpu.memory_space<hbm>>
      %dma_wait3A_23 = tpu.memref_squeeze %dma_wait3A_22 : memref<1x37x128xi32, #tpu.memory_space<hbm>> -> memref<37x128xi32, #tpu.memory_space<hbm>>
      %dma_wait3A_24 = arith.constant 0 : i32
      %dma_wait3A_25 = arith.constant 0 : i32
      %dma_wait3A_26 = tpu.memref_slice %arg3[%add3A, %dma_wait3A_24, %dma_wait3A_25] : memref<32x37x128xi32, #tpu.memory_space<hbm>> -> memref<1x37x128xi32, #tpu.memory_space<hbm>>
      %dma_wait3A_27 = tpu.memref_squeeze %dma_wait3A_26 : memref<1x37x128xi32, #tpu.memory_space<hbm>> -> memref<37x128xi32, #tpu.memory_space<hbm>>
      tpu.wait_dma2 semaphore(%run_scoped3A : memref<!tpu.dma_semaphore, #tpu.memory_space<semaphore_mem>>) src(%dma_wait3A_27 : memref<37x128xi32, #tpu.memory_space<hbm>>) dst(%arg6 : memref<37x128xi32, #tpu.memory_space<vmem>>)
      tpu.yield
    }) : () -> ()
    %scan3A = arith.constant 0 : i32
    %scan3A_3 = arith.constant 0 : i32
    %scan3A_4 = arith.constant 37 : i32
    %scan3A_5 = arith.addi %scan3A_3, %scan3A_4 : i32
    %scan3A_6 = arith.constant 1 : i32
    scf.for %scan3A_14 = %scan3A_3 to %scan3A_5 step %scan3A_6  : i32 {
      %mul3A_15 = arith.constant 4736 : i32
      %mul3A_16 = arith.muli %add3A, %mul3A_15 : i32
      %mul3A_17 = arith.constant 128 : i32
      %mul3A_18 = arith.muli %scan3A_14, %mul3A_17 : i32
      %add3A_19 = arith.addi %mul3A_16, %mul3A_18 : i32
      "tpu.region"() ({
        %run_scoped3A = tpu.sem_alloc : memref<!tpu.dma_semaphore, #tpu.memory_space<semaphore_mem>>
        %dma_start3A = arith.constant 0 : i32
        %dma_start3A_20 = tpu.memref_slice %arg2[%add3A_19, %dma_start3A] : memref<151552x128xf32, #tpu.memory_space<hbm>> -> memref<128x128xf32, #tpu.memory_space<hbm>>
        %dma_start3A_21 = arith.constant 0 : i32
        %dma_start3A_22 = tpu.memref_slice %arg2[%add3A_19, %dma_start3A_21] : memref<151552x128xf32, #tpu.memory_space<hbm>> -> memref<128x128xf32, #tpu.memory_space<hbm>>
        tpu.enqueue_dma source(%dma_start3A_22 : memref<128x128xf32, #tpu.memory_space<hbm>>) target(%arg7 : memref<128x128xf32, #tpu.memory_space<vmem>>) target_semaphore(%run_scoped3A : memref<!tpu.dma_semaphore, #tpu.memory_space<semaphore_mem>>)
        %dma_wait3A = arith.constant 0 : i32
        %dma_wait3A_23 = tpu.memref_slice %arg2[%add3A_19, %dma_wait3A] : memref<151552x128xf32, #tpu.memory_space<hbm>> -> memref<128x128xf32, #tpu.memory_space<hbm>>
        %dma_wait3A_24 = arith.constant 0 : i32
        %dma_wait3A_25 = tpu.memref_slice %arg2[%add3A_19, %dma_wait3A_24] : memref<151552x128xf32, #tpu.memory_space<hbm>> -> memref<128x128xf32, #tpu.memory_space<hbm>>
        tpu.wait_dma2 semaphore(%run_scoped3A : memref<!tpu.dma_semaphore, #tpu.memory_space<semaphore_mem>>) src(%dma_wait3A_25 : memref<128x128xf32, #tpu.memory_space<hbm>>) dst(%arg7 : memref<128x128xf32, #tpu.memory_space<vmem>>)
        tpu.yield
      }) : () -> ()
      "tpu.region"() ({
        %run_scoped3A = tpu.sem_alloc : memref<!tpu.dma_semaphore, #tpu.memory_space<semaphore_mem>>
        %dma_start3A = arith.constant 0 : i32
        %dma_start3A_20 = tpu.memref_slice %arg6[%scan3A_14, %dma_start3A] : memref<37x128xi32, #tpu.memory_space<vmem>> -> memref<1x128xi32, #tpu.memory_space<vmem>>
        %dma_start3A_21 = tpu.memref_squeeze %dma_start3A_20 : memref<1x128xi32, #tpu.memory_space<vmem>> -> memref<128xi32, #tpu.memory_space<vmem>>
        %dma_start3A_22 = arith.constant 0 : i32
        %dma_start3A_23 = arith.constant 0 : i32
        %dma_start3A_24 = tpu.memref_slice %arg8[%dma_start3A_22, %dma_start3A_23] : memref<1000x128xf32, #tpu.memory_space<vmem_shared>> -> memref<1000x128xf32, #tpu.memory_space<vmem_shared>>
        tpu.enqueue_indirect_dma source(%arg7 : memref<128x128xf32, #tpu.memory_space<vmem>>) target(%dma_start3A_24 : memref<1000x128xf32, #tpu.memory_space<vmem_shared>>) offsets(%dma_start3A_21 : memref<128xi32, #tpu.memory_space<vmem>>) semaphore(%run_scoped3A : memref<!tpu.dma_semaphore, #tpu.memory_space<semaphore_mem>>) {add = true}
        %dma_wait3A = arith.constant 0 : i32
        %dma_wait3A_25 = tpu.memref_slice %arg6[%scan3A_14, %dma_wait3A] : memref<37x128xi32, #tpu.memory_space<vmem>> -> memref<1x128xi32, #tpu.memory_space<vmem>>
        %dma_wait3A_26 = tpu.memref_squeeze %dma_wait3A_25 : memref<1x128xi32, #tpu.memory_space<vmem>> -> memref<128xi32, #tpu.memory_space<vmem>>
        %dma_wait3A_27 = arith.constant 0 : i32
        %dma_wait3A_28 = arith.constant 0 : i32
        %dma_wait3A_29 = tpu.memref_slice %arg8[%dma_wait3A_27, %dma_wait3A_28] : memref<1000x128xf32, #tpu.memory_space<vmem_shared>> -> memref<1000x128xf32, #tpu.memory_space<vmem_shared>>
        tpu.wait_indirect_dma semaphore(%run_scoped3A : memref<!tpu.dma_semaphore, #tpu.memory_space<semaphore_mem>>) src(%arg7 : memref<128x128xf32, #tpu.memory_space<vmem>>) dst(%dma_wait3A_29 : memref<1000x128xf32, #tpu.memory_space<vmem_shared>>)
        tpu.yield
      }) : () -> ()
    }
    %scan3A_7 = arith.constant 37 : i32
    %barrier3A_8 = arith.constant 0 : index
    tpu.barrier barrier_id(%barrier3A_8)
    %eq3A_9 = arith.constant 0 : i32
    %eq3A_10 = arith.cmpi eq, %arg1, %eq3A_9 : i32
    %convert_element_type3A_11 = arith.extui %eq3A_10 : i1 to i32
    %cond3A_12 = arith.constant 0 : i32
    %cond3A_13 = arith.cmpi ne, %convert_element_type3A_11, %cond3A_12 : i32
    scf.if %cond3A_13 {
      "tpu.region"() ({
        %run_scoped3A = tpu.sem_alloc : memref<!tpu.dma_semaphore, #tpu.memory_space<semaphore_mem>>
        %dma_start3A = arith.constant 0 : i32
        %dma_start3A_14 = arith.constant 0 : i32
        %dma_start3A_15 = tpu.memref_slice %arg5[%arg0, %dma_start3A, %dma_start3A_14] : memref<2x1000x128xf32, #tpu.memory_space<hbm>> -> memref<1x1000x128xf32, #tpu.memory_space<hbm>>
        %dma_start3A_16 = tpu.memref_squeeze %dma_start3A_15 : memref<1x1000x128xf32, #tpu.memory_space<hbm>> -> memref<1000x128xf32, #tpu.memory_space<hbm>>
        tpu.enqueue_dma source(%arg8 : memref<1000x128xf32, #tpu.memory_space<vmem_shared>>) target(%dma_start3A_16 : memref<1000x128xf32, #tpu.memory_space<hbm>>) target_semaphore(%run_scoped3A : memref<!tpu.dma_semaphore, #tpu.memory_space<semaphore_mem>>)
        %dma_wait3A = arith.constant 0 : i32
        %dma_wait3A_17 = arith.constant 0 : i32
        %dma_wait3A_18 = tpu.memref_slice %arg5[%arg0, %dma_wait3A, %dma_wait3A_17] : memref<2x1000x128xf32, #tpu.memory_space<hbm>> -> memref<1x1000x128xf32, #tpu.memory_space<hbm>>
        %dma_wait3A_19 = tpu.memref_squeeze %dma_wait3A_18 : memref<1x1000x128xf32, #tpu.memory_space<hbm>> -> memref<1000x128xf32, #tpu.memory_space<hbm>>
        tpu.wait_dma2 semaphore(%run_scoped3A : memref<!tpu.dma_semaphore, #tpu.memory_space<semaphore_mem>>) src(%arg8 : memref<1000x128xf32, #tpu.memory_space<vmem_shared>>) dst(%dma_wait3A_19 : memref<1000x128xf32, #tpu.memory_space<hbm>>)
        tpu.yield
      }) : () -> ()
    } else {
    }
    return
  }
}

#map = affine_map<(d0, d1) -> (0, 0)>
#map1 = affine_map<(d0, d1) -> (0, 0, 0)>
module attributes {stable_mosaic.version = 14 : i64} {
  func.func @segsum(%arg0: i32, %arg1: i32, %arg2: memref<53248x128xf32, #tpu.memory_space<hbm>>, %arg3: memref<32x13x128xi32, #tpu.memory_space<hbm>>, %arg4: memref<1000x128xf32, #tpu.memory_space<hbm>>, %arg5: memref<2x1000x128xf32, #tpu.memory_space<hbm>>, %arg6: memref<13x128xi32, #tpu.memory_space<vmem>>, %arg7: memref<128x128xf32, #tpu.memory_space<vmem>>, %arg8: memref<1000x128xf32, #tpu.memory_space<vmem_shared>>) attributes {dimension_semantics = [#tpu.dimension_semantics<core_parallel>, #tpu.dimension_semantics<subcore_parallel>], iteration_bounds = array<i64: 2, 16>, scalar_prefetch = 0 : i64, scratch_operands = 3 : i64, tpu.core_type = #tpu.core_type<sc_vector_subcore>, window_params = [{transform_indices = #map}, {transform_indices = #map1}, {transform_indices = #map}, {transform_indices = #map1}]} {
    %mul3A = arith.constant 2 : i32
    %mul3A_0 = arith.muli %arg1, %mul3A : i32
    %add3A = arith.addi %mul3A_0, %arg0 : i32
    %eq3A = arith.constant 0 : i32
    %eq3A_1 = arith.cmpi eq, %arg1, %eq3A : i32
    %convert_element_type3A = arith.extui %eq3A_1 : i1 to i32
    %cond3A = arith.constant 0 : i32
    %cond3A_2 = arith.cmpi ne, %convert_element_type3A, %cond3A : i32
    scf.if %cond3A_2 {
      "tpu.region"() ({
        %run_scoped3A = tpu.sem_alloc : memref<!tpu.dma_semaphore, #tpu.memory_space<semaphore_mem>>
        tpu.enqueue_dma source(%arg4 : memref<1000x128xf32, #tpu.memory_space<hbm>>) target(%arg8 : memref<1000x128xf32, #tpu.memory_space<vmem_shared>>) target_semaphore(%run_scoped3A : memref<!tpu.dma_semaphore, #tpu.memory_space<semaphore_mem>>)
        tpu.wait_dma2 semaphore(%run_scoped3A : memref<!tpu.dma_semaphore, #tpu.memory_space<semaphore_mem>>) src(%arg4 : memref<1000x128xf32, #tpu.memory_space<hbm>>) dst(%arg8 : memref<1000x128xf32, #tpu.memory_space<vmem_shared>>)
        tpu.yield
      }) : () -> ()
    } else {
    }
    %barrier3A = arith.constant 0 : index
    tpu.barrier barrier_id(%barrier3A)
    "tpu.region"() ({
      %run_scoped3A = tpu.sem_alloc : memref<!tpu.dma_semaphore, #tpu.memory_space<semaphore_mem>>
      %dma_start3A = arith.constant 0 : i32
      %dma_start3A_14 = arith.constant 0 : i32
      %dma_start3A_15 = tpu.memref_slice %arg3[%add3A, %dma_start3A, %dma_start3A_14] : memref<32x13x128xi32, #tpu.memory_space<hbm>> -> memref<1x13x128xi32, #tpu.memory_space<hbm>>
      %dma_start3A_16 = tpu.memref_squeeze %dma_start3A_15 : memref<1x13x128xi32, #tpu.memory_space<hbm>> -> memref<13x128xi32, #tpu.memory_space<hbm>>
      %dma_start3A_17 = arith.constant 0 : i32
      %dma_start3A_18 = arith.constant 0 : i32
      %dma_start3A_19 = tpu.memref_slice %arg3[%add3A, %dma_start3A_17, %dma_start3A_18] : memref<32x13x128xi32, #tpu.memory_space<hbm>> -> memref<1x13x128xi32, #tpu.memory_space<hbm>>
      %dma_start3A_20 = tpu.memref_squeeze %dma_start3A_19 : memref<1x13x128xi32, #tpu.memory_space<hbm>> -> memref<13x128xi32, #tpu.memory_space<hbm>>
      tpu.enqueue_dma source(%dma_start3A_20 : memref<13x128xi32, #tpu.memory_space<hbm>>) target(%arg6 : memref<13x128xi32, #tpu.memory_space<vmem>>) target_semaphore(%run_scoped3A : memref<!tpu.dma_semaphore, #tpu.memory_space<semaphore_mem>>)
      %dma_wait3A = arith.constant 0 : i32
      %dma_wait3A_21 = arith.constant 0 : i32
      %dma_wait3A_22 = tpu.memref_slice %arg3[%add3A, %dma_wait3A, %dma_wait3A_21] : memref<32x13x128xi32, #tpu.memory_space<hbm>> -> memref<1x13x128xi32, #tpu.memory_space<hbm>>
      %dma_wait3A_23 = tpu.memref_squeeze %dma_wait3A_22 : memref<1x13x128xi32, #tpu.memory_space<hbm>> -> memref<13x128xi32, #tpu.memory_space<hbm>>
      %dma_wait3A_24 = arith.constant 0 : i32
      %dma_wait3A_25 = arith.constant 0 : i32
      %dma_wait3A_26 = tpu.memref_slice %arg3[%add3A, %dma_wait3A_24, %dma_wait3A_25] : memref<32x13x128xi32, #tpu.memory_space<hbm>> -> memref<1x13x128xi32, #tpu.memory_space<hbm>>
      %dma_wait3A_27 = tpu.memref_squeeze %dma_wait3A_26 : memref<1x13x128xi32, #tpu.memory_space<hbm>> -> memref<13x128xi32, #tpu.memory_space<hbm>>
      tpu.wait_dma2 semaphore(%run_scoped3A : memref<!tpu.dma_semaphore, #tpu.memory_space<semaphore_mem>>) src(%dma_wait3A_27 : memref<13x128xi32, #tpu.memory_space<hbm>>) dst(%arg6 : memref<13x128xi32, #tpu.memory_space<vmem>>)
      tpu.yield
    }) : () -> ()
    %scan3A = arith.constant 0 : i32
    %scan3A_3 = arith.constant 0 : i32
    %scan3A_4 = arith.constant 13 : i32
    %scan3A_5 = arith.addi %scan3A_3, %scan3A_4 : i32
    %scan3A_6 = arith.constant 1 : i32
    scf.for %scan3A_14 = %scan3A_3 to %scan3A_5 step %scan3A_6  : i32 {
      %mul3A_15 = arith.constant 1664 : i32
      %mul3A_16 = arith.muli %add3A, %mul3A_15 : i32
      %mul3A_17 = arith.constant 128 : i32
      %mul3A_18 = arith.muli %scan3A_14, %mul3A_17 : i32
      %add3A_19 = arith.addi %mul3A_16, %mul3A_18 : i32
      "tpu.region"() ({
        %run_scoped3A = tpu.sem_alloc : memref<!tpu.dma_semaphore, #tpu.memory_space<semaphore_mem>>
        %dma_start3A = arith.constant 0 : i32
        %dma_start3A_20 = tpu.memref_slice %arg2[%add3A_19, %dma_start3A] : memref<53248x128xf32, #tpu.memory_space<hbm>> -> memref<128x128xf32, #tpu.memory_space<hbm>>
        %dma_start3A_21 = arith.constant 0 : i32
        %dma_start3A_22 = tpu.memref_slice %arg2[%add3A_19, %dma_start3A_21] : memref<53248x128xf32, #tpu.memory_space<hbm>> -> memref<128x128xf32, #tpu.memory_space<hbm>>
        tpu.enqueue_dma source(%dma_start3A_22 : memref<128x128xf32, #tpu.memory_space<hbm>>) target(%arg7 : memref<128x128xf32, #tpu.memory_space<vmem>>) target_semaphore(%run_scoped3A : memref<!tpu.dma_semaphore, #tpu.memory_space<semaphore_mem>>)
        %dma_wait3A = arith.constant 0 : i32
        %dma_wait3A_23 = tpu.memref_slice %arg2[%add3A_19, %dma_wait3A] : memref<53248x128xf32, #tpu.memory_space<hbm>> -> memref<128x128xf32, #tpu.memory_space<hbm>>
        %dma_wait3A_24 = arith.constant 0 : i32
        %dma_wait3A_25 = tpu.memref_slice %arg2[%add3A_19, %dma_wait3A_24] : memref<53248x128xf32, #tpu.memory_space<hbm>> -> memref<128x128xf32, #tpu.memory_space<hbm>>
        tpu.wait_dma2 semaphore(%run_scoped3A : memref<!tpu.dma_semaphore, #tpu.memory_space<semaphore_mem>>) src(%dma_wait3A_25 : memref<128x128xf32, #tpu.memory_space<hbm>>) dst(%arg7 : memref<128x128xf32, #tpu.memory_space<vmem>>)
        tpu.yield
      }) : () -> ()
      "tpu.region"() ({
        %run_scoped3A = tpu.sem_alloc : memref<!tpu.dma_semaphore, #tpu.memory_space<semaphore_mem>>
        %dma_start3A = arith.constant 0 : i32
        %dma_start3A_20 = tpu.memref_slice %arg6[%scan3A_14, %dma_start3A] : memref<13x128xi32, #tpu.memory_space<vmem>> -> memref<1x128xi32, #tpu.memory_space<vmem>>
        %dma_start3A_21 = tpu.memref_squeeze %dma_start3A_20 : memref<1x128xi32, #tpu.memory_space<vmem>> -> memref<128xi32, #tpu.memory_space<vmem>>
        %dma_start3A_22 = arith.constant 0 : i32
        %dma_start3A_23 = arith.constant 0 : i32
        %dma_start3A_24 = tpu.memref_slice %arg8[%dma_start3A_22, %dma_start3A_23] : memref<1000x128xf32, #tpu.memory_space<vmem_shared>> -> memref<1000x128xf32, #tpu.memory_space<vmem_shared>>
        tpu.enqueue_indirect_dma source(%arg7 : memref<128x128xf32, #tpu.memory_space<vmem>>) target(%dma_start3A_24 : memref<1000x128xf32, #tpu.memory_space<vmem_shared>>) offsets(%dma_start3A_21 : memref<128xi32, #tpu.memory_space<vmem>>) semaphore(%run_scoped3A : memref<!tpu.dma_semaphore, #tpu.memory_space<semaphore_mem>>) {add = true}
        %dma_wait3A = arith.constant 0 : i32
        %dma_wait3A_25 = tpu.memref_slice %arg6[%scan3A_14, %dma_wait3A] : memref<13x128xi32, #tpu.memory_space<vmem>> -> memref<1x128xi32, #tpu.memory_space<vmem>>
        %dma_wait3A_26 = tpu.memref_squeeze %dma_wait3A_25 : memref<1x128xi32, #tpu.memory_space<vmem>> -> memref<128xi32, #tpu.memory_space<vmem>>
        %dma_wait3A_27 = arith.constant 0 : i32
        %dma_wait3A_28 = arith.constant 0 : i32
        %dma_wait3A_29 = tpu.memref_slice %arg8[%dma_wait3A_27, %dma_wait3A_28] : memref<1000x128xf32, #tpu.memory_space<vmem_shared>> -> memref<1000x128xf32, #tpu.memory_space<vmem_shared>>
        tpu.wait_indirect_dma semaphore(%run_scoped3A : memref<!tpu.dma_semaphore, #tpu.memory_space<semaphore_mem>>) src(%arg7 : memref<128x128xf32, #tpu.memory_space<vmem>>) dst(%dma_wait3A_29 : memref<1000x128xf32, #tpu.memory_space<vmem_shared>>)
        tpu.yield
      }) : () -> ()
    }
    %scan3A_7 = arith.constant 13 : i32
    %barrier3A_8 = arith.constant 0 : index
    tpu.barrier barrier_id(%barrier3A_8)
    %eq3A_9 = arith.constant 0 : i32
    %eq3A_10 = arith.cmpi eq, %arg1, %eq3A_9 : i32
    %convert_element_type3A_11 = arith.extui %eq3A_10 : i1 to i32
    %cond3A_12 = arith.constant 0 : i32
    %cond3A_13 = arith.cmpi ne, %convert_element_type3A_11, %cond3A_12 : i32
    scf.if %cond3A_13 {
      "tpu.region"() ({
        %run_scoped3A = tpu.sem_alloc : memref<!tpu.dma_semaphore, #tpu.memory_space<semaphore_mem>>
        %dma_start3A = arith.constant 0 : i32
        %dma_start3A_14 = arith.constant 0 : i32
        %dma_start3A_15 = tpu.memref_slice %arg5[%arg0, %dma_start3A, %dma_start3A_14] : memref<2x1000x128xf32, #tpu.memory_space<hbm>> -> memref<1x1000x128xf32, #tpu.memory_space<hbm>>
        %dma_start3A_16 = tpu.memref_squeeze %dma_start3A_15 : memref<1x1000x128xf32, #tpu.memory_space<hbm>> -> memref<1000x128xf32, #tpu.memory_space<hbm>>
        tpu.enqueue_dma source(%arg8 : memref<1000x128xf32, #tpu.memory_space<vmem_shared>>) target(%dma_start3A_16 : memref<1000x128xf32, #tpu.memory_space<hbm>>) target_semaphore(%run_scoped3A : memref<!tpu.dma_semaphore, #tpu.memory_space<semaphore_mem>>)
        %dma_wait3A = arith.constant 0 : i32
        %dma_wait3A_17 = arith.constant 0 : i32
        %dma_wait3A_18 = tpu.memref_slice %arg5[%arg0, %dma_wait3A, %dma_wait3A_17] : memref<2x1000x128xf32, #tpu.memory_space<hbm>> -> memref<1x1000x128xf32, #tpu.memory_space<hbm>>
        %dma_wait3A_19 = tpu.memref_squeeze %dma_wait3A_18 : memref<1x1000x128xf32, #tpu.memory_space<hbm>> -> memref<1000x128xf32, #tpu.memory_space<hbm>>
        tpu.wait_dma2 semaphore(%run_scoped3A : memref<!tpu.dma_semaphore, #tpu.memory_space<semaphore_mem>>) src(%arg8 : memref<1000x128xf32, #tpu.memory_space<vmem_shared>>) dst(%dma_wait3A_19 : memref<1000x128xf32, #tpu.memory_space<hbm>>)
        tpu.yield
      }) : () -> ()
    } else {
    }
    return
  }
}

module attributes {stable_mosaic.version = 14 : i64} {
  func.func @_k3a_body(%arg0: memref<2x1000x128xf32, #tpu.memory_space<vmem>>, %arg1: memref<1000x24xf32, #tpu.memory_space<vmem>>) attributes {dimension_semantics = [], scalar_prefetch = 0 : i64, scratch_operands = 0 : i64, tpu.core_type = #tpu.core_type<tc>} {
    %get3A = arith.constant 0 : index
    %get3A_0 = arith.constant 0 : index
    %get3A_1 = arith.constant 0 : index
    %get3A_2 = vector.load %arg0[%get3A, %get3A_0, %get3A_1] : memref<2x1000x128xf32, #tpu.memory_space<vmem>>, vector<1x1000x128xf32>
    %get3A_3 = vector.shape_cast %get3A_2 : vector<1x1000x128xf32> to vector<1000x128xf32>
    %get3A_4 = arith.constant 1 : index
    %get3A_5 = arith.constant 0 : index
    %get3A_6 = arith.constant 0 : index
    %get3A_7 = vector.load %arg0[%get3A_4, %get3A_5, %get3A_6] : memref<2x1000x128xf32, #tpu.memory_space<vmem>>, vector<1x1000x128xf32>
    %get3A_8 = vector.shape_cast %get3A_7 : vector<1x1000x128xf32> to vector<1000x128xf32>
    %add3A = arith.addf %get3A_3, %get3A_8 : vector<1000x128xf32>
    %slice3A = vector.extract_strided_slice %add3A {offsets = [0, 0], sizes = [1000, 24], strides = [1, 1]} : vector<1000x128xf32> to vector<1000x24xf32>
    %slice3A_9 = vector.extract_strided_slice %add3A {offsets = [0, 24], sizes = [1000, 1], strides = [1, 1]} : vector<1000x128xf32> to vector<1000x1xf32>
    %max3A = arith.constant 1.000000e+00 : f32
    %max3A_10 = vector.broadcast %max3A : f32 to vector<1000x1xf32>
    %max3A_11 = arith.maximumf %slice3A_9, %max3A_10 : vector<1000x1xf32>
    %div3A = vector.broadcast %max3A_11 : vector<1000x1xf32> to vector<1000x24xf32>
    %div3A_12 = arith.divf %slice3A, %div3A : vector<1000x24xf32>
    %mul3A = arith.mulf %div3A_12, %div3A_12 : vector<1000x24xf32>
    %reduce_sum3A = arith.constant dense<0.000000e+00> : vector<1000xf32>
    %reduce_sum3A_13 = vector.multi_reduction <add>, %mul3A, %reduce_sum3A [1] : vector<1000x24xf32> to vector<1000xf32>
    %broadcast_in_dim3A = vector.shape_cast %reduce_sum3A_13 : vector<1000xf32> to vector<1000x1xf32>
    %sqrt3A = math.sqrt %broadcast_in_dim3A : vector<1000x1xf32>
    %max3A_14 = arith.constant 9.99999996E-13 : f32
    %max3A_15 = vector.broadcast %max3A_14 : f32 to vector<1000x1xf32>
    %max3A_16 = arith.maximumf %sqrt3A, %max3A_15 : vector<1000x1xf32>
    %div3A_17 = vector.broadcast %max3A_16 : vector<1000x1xf32> to vector<1000x24xf32>
    %div3A_18 = arith.divf %div3A_12, %div3A_17 : vector<1000x24xf32>
    %swap3A = arith.constant 0 : index
    %swap3A_19 = arith.constant 0 : index
    %swap3A_20 = vector.load %arg1[%swap3A, %swap3A_19] : memref<1000x24xf32, #tpu.memory_space<vmem>>, vector<1000x24xf32>
    tpu.vector_store %arg1[%swap3A, %swap3A_19], %div3A_18 {strides = array<i32>} : memref<1000x24xf32, #tpu.memory_space<vmem>>, vector<1000x24xf32>,
    return
  }
}

module attributes {stable_mosaic.version = 14 : i64} {
  func.func @_k1_body(%arg0: i32, %arg1: memref<400x128xf32, #tpu.memory_space<vmem>>, %arg2: memref<400x128xf32, #tpu.memory_space<vmem>>, %arg3: memref<400x1xf32, #tpu.memory_space<vmem>>, %arg4: memref<128x256xf32, #tpu.memory_space<vmem>>, %arg5: memref<1x256xf32, #tpu.memory_space<vmem>>, %arg6: memref<256x24xf32, #tpu.memory_space<vmem>>, %arg7: memref<1x24xf32, #tpu.memory_space<vmem>>, %arg8: memref<128x256xf32, #tpu.memory_space<vmem>>, %arg9: memref<1x256xf32, #tpu.memory_space<vmem>>, %arg10: memref<256x128xf32, #tpu.memory_space<vmem>>, %arg11: memref<1x128xf32, #tpu.memory_space<vmem>>, %arg12: memref<24x1000xf32, #tpu.memory_space<vmem>>, %arg13: memref<400x24xf32, #tpu.memory_space<vmem>>, %arg14: memref<400x1xi32, #tpu.memory_space<vmem>>, %arg15: memref<400x128xf32, #tpu.memory_space<vmem>>) attributes {dimension_semantics = [#tpu.dimension_semantics<arbitrary>], iteration_bounds = array<i64: 125>, scalar_prefetch = 0 : i64, scratch_operands = 0 : i64, tpu.core_type = #tpu.core_type<tc>, window_params = [{transform_indices = @transform_0, window_bounds = array<i64: 400, 128>}, {transform_indices = @transform_1, window_bounds = array<i64: 400, 128>}, {transform_indices = @transform_2, window_bounds = array<i64: 400, 1>}, {pipeline_mode = #tpu.pipeline_mode<synchronous>, transform_indices = @transform_3, window_bounds = array<i64: 128, 256>}, {pipeline_mode = #tpu.pipeline_mode<synchronous>, transform_indices = @transform_4, window_bounds = array<i64: 1, 256>}, {pipeline_mode = #tpu.pipeline_mode<synchronous>, transform_indices = @transform_5, window_bounds = array<i64: 256, 24>}, {pipeline_mode = #tpu.pipeline_mode<synchronous>, transform_indices = @transform_6, window_bounds = array<i64: 1, 24>}, {pipeline_mode = #tpu.pipeline_mode<synchronous>, transform_indices = @transform_7, window_bounds = array<i64: 128, 256>}, {pipeline_mode = #tpu.pipeline_mode<synchronous>, transform_indices = @transform_8, window_bounds = array<i64: 1, 256>}, {pipeline_mode = #tpu.pipeline_mode<synchronous>, transform_indices = @transform_9, window_bounds = array<i64: 256, 128>}, {pipeline_mode = #tpu.pipeline_mode<synchronous>, transform_indices = @transform_10, window_bounds = array<i64: 1, 128>}, {pipeline_mode = #tpu.pipeline_mode<synchronous>, transform_indices = @transform_11, window_bounds = array<i64: 24, 1000>}, {transform_indices = @transform_12, window_bounds = array<i64: 400, 24>}, {transform_indices = @transform_13, window_bounds = array<i64: 400, 1>}, {transform_indices = @transform_14, window_bounds = array<i64: 400, 128>}]} {
    %get3A = arith.constant 0 : index
    %get3A_0 = arith.constant 0 : index
    %get3A_1 = vector.load %arg1[%get3A, %get3A_0] : memref<400x128xf32, #tpu.memory_space<vmem>>, vector<400x128xf32>
    %get3A_2 = arith.constant 0 : index
    %get3A_3 = arith.constant 0 : index
    %get3A_4 = vector.load %arg4[%get3A_2, %get3A_3] : memref<128x256xf32, #tpu.memory_space<vmem>>, vector<128x256xf32>
    %dot_general3A = arith.constant dense<0.000000e+00> : vector<400x256xf32>
    %dot_general3A_5 = tpu.matmul %get3A_1, %get3A_4, %dot_general3A {dimension_numbers = #tpu.dot_dimension_numbers<[1], [0], [0], [1], [0, 0, 1, 1], [], []>, transpose_lhs_hint = false} : vector<400x128xf32>, vector<128x256xf32>, vector<400x256xf32> -> vector<400x256xf32>
    %get3A_6 = arith.constant 0 : index
    %get3A_7 = arith.constant 0 : index
    %get3A_8 = vector.load %arg5[%get3A_6, %get3A_7] : memref<1x256xf32, #tpu.memory_space<vmem>>, vector<1x256xf32>
    %add3A = vector.broadcast %get3A_8 : vector<1x256xf32> to vector<400x256xf32>
    %add3A_9 = arith.addf %dot_general3A_5, %add3A : vector<400x256xf32>
    %max3A = arith.constant 0.000000e+00 : f32
    %max3A_10 = vector.broadcast %max3A : f32 to vector<400x256xf32>
    %max3A_11 = arith.maximumf %add3A_9, %max3A_10 : vector<400x256xf32>
    %get3A_12 = arith.constant 0 : index
    %get3A_13 = arith.constant 0 : index
    %get3A_14 = vector.load %arg6[%get3A_12, %get3A_13] : memref<256x24xf32, #tpu.memory_space<vmem>>, vector<256x24xf32>
    %dot_general3A_15 = arith.constant dense<0.000000e+00> : vector<400x24xf32>
    %dot_general3A_16 = tpu.matmul %max3A_11, %get3A_14, %dot_general3A_15 {dimension_numbers = #tpu.dot_dimension_numbers<[1], [0], [0], [1], [0, 0, 1, 1], [], []>, transpose_lhs_hint = false} : vector<400x256xf32>, vector<256x24xf32>, vector<400x24xf32> -> vector<400x24xf32>
    %get3A_17 = arith.constant 0 : index
    %get3A_18 = arith.constant 0 : index
    %get3A_19 = vector.load %arg7[%get3A_17, %get3A_18] : memref<1x24xf32, #tpu.memory_space<vmem>>, vector<1x24xf32>
    %add3A_20 = vector.broadcast %get3A_19 : vector<1x24xf32> to vector<400x24xf32>
    %add3A_21 = arith.addf %dot_general3A_16, %add3A_20 : vector<400x24xf32>
    %mul3A = arith.mulf %add3A_21, %add3A_21 : vector<400x24xf32>
    %reduce_sum3A = arith.constant dense<0.000000e+00> : vector<400xf32>
    %reduce_sum3A_22 = vector.multi_reduction <add>, %mul3A, %reduce_sum3A [1] : vector<400x24xf32> to vector<400xf32>
    %broadcast_in_dim3A = vector.shape_cast %reduce_sum3A_22 : vector<400xf32> to vector<400x1xf32>
    %sqrt3A = math.sqrt %broadcast_in_dim3A : vector<400x1xf32>
    %max3A_23 = arith.constant 9.99999996E-13 : f32
    %max3A_24 = vector.broadcast %max3A_23 : f32 to vector<400x1xf32>
    %max3A_25 = arith.maximumf %sqrt3A, %max3A_24 : vector<400x1xf32>
    %div3A = vector.broadcast %max3A_25 : vector<400x1xf32> to vector<400x24xf32>
    %div3A_26 = arith.divf %add3A_21, %div3A : vector<400x24xf32>
    %swap3A = arith.constant 0 : index
    %swap3A_27 = arith.constant 0 : index
    %swap3A_28 = vector.load %arg13[%swap3A, %swap3A_27] : memref<400x24xf32, #tpu.memory_space<vmem>>, vector<400x24xf32>
    tpu.vector_store %arg13[%swap3A, %swap3A_27], %div3A_26 {strides = array<i32>} : memref<400x24xf32, #tpu.memory_space<vmem>>, vector<400x24xf32>,
    %get3A_29 = arith.constant 0 : index
    %get3A_30 = arith.constant 0 : index
    %get3A_31 = vector.load %arg3[%get3A_29, %get3A_30] : memref<400x1xf32, #tpu.memory_space<vmem>>, vector<400x1xf32>
    %mul3A_32 = vector.broadcast %get3A_31 : vector<400x1xf32> to vector<400x24xf32>
    %mul3A_33 = arith.mulf %div3A_26, %mul3A_32 : vector<400x24xf32>
    %get3A_34 = arith.constant 0 : index
    %get3A_35 = arith.constant 0 : index
    %get3A_36 = vector.load %arg12[%get3A_34, %get3A_35] : memref<24x1000xf32, #tpu.memory_space<vmem>>, vector<24x1000xf32>
    %dot_general3A_37 = arith.constant dense<0.000000e+00> : vector<400x1000xf32>
    %dot_general3A_38 = tpu.matmul %mul3A_33, %get3A_36, %dot_general3A_37 {dimension_numbers = #tpu.dot_dimension_numbers<[1], [0], [0], [1], [0, 0, 1, 1], [], []>, transpose_lhs_hint = false} : vector<400x24xf32>, vector<24x1000xf32>, vector<400x1000xf32> -> vector<400x1000xf32>
    %reduce_max3A = arith.constant dense<0xFF800000> : vector<400xf32>
    %reduce_max3A_39 = vector.multi_reduction <maximumf>, %dot_general3A_38, %reduce_max3A [1] : vector<400x1000xf32> to vector<400xf32>
    %broadcast_in_dim3A_40 = vector.shape_cast %reduce_max3A_39 : vector<400xf32> to vector<400x1xf32>
    %iota3A = tpu.iota {dimensions = array<i32: 1>} : vector<400x1000xi32>
    %eq3A = vector.broadcast %broadcast_in_dim3A_40 : vector<400x1xf32> to vector<400x1000xf32>
    %eq3A_41 = arith.cmpf oeq, %dot_general3A_38, %eq3A : vector<400x1000xf32>
    %jit3A = arith.constant 1000 : i32
    %broadcast_in_dim3A_42 = vector.broadcast %jit3A : i32 to vector<400x1000xi32>
    %select_n3A = arith.select %eq3A_41, %iota3A, %broadcast_in_dim3A_42 : vector<400x1000xi1>, vector<400x1000xi32>
    %reduce_min3A = arith.constant dense<2147483647> : vector<400xi32>
    %reduce_min3A_43 = vector.multi_reduction <minsi>, %select_n3A, %reduce_min3A [1] : vector<400x1000xi32> to vector<400xi32>
    %broadcast_in_dim3A_44 = vector.shape_cast %reduce_min3A_43 : vector<400xi32> to vector<400x1xi32>
    %swap3A_45 = arith.constant 0 : index
    %swap3A_46 = arith.constant 0 : index
    %swap3A_47 = vector.load %arg14[%swap3A_45, %swap3A_46] : memref<400x1xi32, #tpu.memory_space<vmem>>, vector<400x1xi32>
    tpu.vector_store %arg14[%swap3A_45, %swap3A_46], %broadcast_in_dim3A_44 {strides = array<i32>} : memref<400x1xi32, #tpu.memory_space<vmem>>, vector<400x1xi32>,
    %get3A_48 = arith.constant 0 : index
    %get3A_49 = arith.constant 0 : index
    %get3A_50 = vector.load %arg2[%get3A_48, %get3A_49] : memref<400x128xf32, #tpu.memory_space<vmem>>, vector<400x128xf32>
    %get3A_51 = arith.constant 0 : index
    %get3A_52 = arith.constant 0 : index
    %get3A_53 = vector.load %arg8[%get3A_51, %get3A_52] : memref<128x256xf32, #tpu.memory_space<vmem>>, vector<128x256xf32>
    %dot_general3A_54 = arith.constant dense<0.000000e+00> : vector<400x256xf32>
    %dot_general3A_55 = tpu.matmul %get3A_50, %get3A_53, %dot_general3A_54 {dimension_numbers = #tpu.dot_dimension_numbers<[1], [0], [0], [1], [0, 0, 1, 1], [], []>, transpose_lhs_hint = false} : vector<400x128xf32>, vector<128x256xf32>, vector<400x256xf32> -> vector<400x256xf32>
    %get3A_56 = arith.constant 0 : index
    %get3A_57 = arith.constant 0 : index
    %get3A_58 = vector.load %arg9[%get3A_56, %get3A_57] : memref<1x256xf32, #tpu.memory_space<vmem>>, vector<1x256xf32>
    %add3A_59 = vector.broadcast %get3A_58 : vector<1x256xf32> to vector<400x256xf32>
    %add3A_60 = arith.addf %dot_general3A_55, %add3A_59 : vector<400x256xf32>
    %max3A_61 = arith.constant 0.000000e+00 : f32
    %max3A_62 = vector.broadcast %max3A_61 : f32 to vector<400x256xf32>
    %max3A_63 = arith.maximumf %add3A_60, %max3A_62 : vector<400x256xf32>
    %get3A_64 = arith.constant 0 : index
    %get3A_65 = arith.constant 0 : index
    %get3A_66 = vector.load %arg10[%get3A_64, %get3A_65] : memref<256x128xf32, #tpu.memory_space<vmem>>, vector<256x128xf32>
    %dot_general3A_67 = arith.constant dense<0.000000e+00> : vector<400x128xf32>
    %dot_general3A_68 = tpu.matmul %max3A_63, %get3A_66, %dot_general3A_67 {dimension_numbers = #tpu.dot_dimension_numbers<[1], [0], [0], [1], [0, 0, 1, 1], [], []>, transpose_lhs_hint = false} : vector<400x256xf32>, vector<256x128xf32>, vector<400x128xf32> -> vector<400x128xf32>
    %get3A_69 = arith.constant 0 : index
    %get3A_70 = arith.constant 0 : index
    %get3A_71 = vector.load %arg11[%get3A_69, %get3A_70] : memref<1x128xf32, #tpu.memory_space<vmem>>, vector<1x128xf32>
    %add3A_72 = vector.broadcast %get3A_71 : vector<1x128xf32> to vector<400x128xf32>
    %add3A_73 = arith.addf %dot_general3A_68, %add3A_72 : vector<400x128xf32>
    %max3A_74 = arith.constant 0.000000e+00 : f32
    %max3A_75 = vector.broadcast %max3A_74 : f32 to vector<400x128xf32>
    %max3A_76 = arith.maximumf %add3A_73, %max3A_75 : vector<400x128xf32>
    %swap3A_77 = arith.constant 0 : index
    %swap3A_78 = arith.constant 0 : index
    %swap3A_79 = vector.load %arg15[%swap3A_77, %swap3A_78] : memref<400x128xf32, #tpu.memory_space<vmem>>, vector<400x128xf32>
    tpu.vector_store %arg15[%swap3A_77, %swap3A_78], %max3A_76 {strides = array<i32>} : memref<400x128xf32, #tpu.memory_space<vmem>>, vector<400x128xf32>,
    return
  }
  func.func @transform_0(%arg0: i32) -> (i32, i32) {
    %c0_i32 = arith.constant 0 : i32
    %c0_i32_0 = arith.constant 0 : i32
    return %arg0, %c0_i32 : i32, i32
  }
  func.func @transform_1(%arg0: i32) -> (i32, i32) {
    %c0_i32 = arith.constant 0 : i32
    %c0_i32_0 = arith.constant 0 : i32
    return %arg0, %c0_i32 : i32, i32
  }
  func.func @transform_2(%arg0: i32) -> (i32, i32) {
    %c0_i32 = arith.constant 0 : i32
    %c0_i32_0 = arith.constant 0 : i32
    return %arg0, %c0_i32 : i32, i32
  }
  func.func @transform_3(%arg0: i32) -> (i32, i32) {
    %c0_i32 = arith.constant 0 : i32
    %c0_i32_0 = arith.constant 0 : i32
    %c0_i32_1 = arith.constant 0 : i32
    return %c0_i32, %c0_i32_0 : i32, i32
  }
  func.func @transform_4(%arg0: i32) -> (i32, i32) {
    %c0_i32 = arith.constant 0 : i32
    %c0_i32_0 = arith.constant 0 : i32
    %c0_i32_1 = arith.constant 0 : i32
    return %c0_i32, %c0_i32_0 : i32, i32
  }
  func.func @transform_5(%arg0: i32) -> (i32, i32) {
    %c0_i32 = arith.constant 0 : i32
    %c0_i32_0 = arith.constant 0 : i32
    %c0_i32_1 = arith.constant 0 : i32
    return %c0_i32, %c0_i32_0 : i32, i32
  }
  func.func @transform_6(%arg0: i32) -> (i32, i32) {
    %c0_i32 = arith.constant 0 : i32
    %c0_i32_0 = arith.constant 0 : i32
    %c0_i32_1 = arith.constant 0 : i32
    return %c0_i32, %c0_i32_0 : i32, i32
  }
  func.func @transform_7(%arg0: i32) -> (i32, i32) {
    %c0_i32 = arith.constant 0 : i32
    %c0_i32_0 = arith.constant 0 : i32
    %c0_i32_1 = arith.constant 0 : i32
    return %c0_i32, %c0_i32_0 : i32, i32
  }
  func.func @transform_8(%arg0: i32) -> (i32, i32) {
    %c0_i32 = arith.constant 0 : i32
    %c0_i32_0 = arith.constant 0 : i32
    %c0_i32_1 = arith.constant 0 : i32
    return %c0_i32, %c0_i32_0 : i32, i32
  }
  func.func @transform_9(%arg0: i32) -> (i32, i32) {
    %c0_i32 = arith.constant 0 : i32
    %c0_i32_0 = arith.constant 0 : i32
    %c0_i32_1 = arith.constant 0 : i32
    return %c0_i32, %c0_i32_0 : i32, i32
  }
  func.func @transform_10(%arg0: i32) -> (i32, i32) {
    %c0_i32 = arith.constant 0 : i32
    %c0_i32_0 = arith.constant 0 : i32
    %c0_i32_1 = arith.constant 0 : i32
    return %c0_i32, %c0_i32_0 : i32, i32
  }
  func.func @transform_11(%arg0: i32) -> (i32, i32) {
    %c0_i32 = arith.constant 0 : i32
    %c0_i32_0 = arith.constant 0 : i32
    %c0_i32_1 = arith.constant 0 : i32
    return %c0_i32, %c0_i32_0 : i32, i32
  }
  func.func @transform_12(%arg0: i32) -> (i32, i32) {
    %c0_i32 = arith.constant 0 : i32
    %c0_i32_0 = arith.constant 0 : i32
    return %arg0, %c0_i32 : i32, i32
  }
  func.func @transform_13(%arg0: i32) -> (i32, i32) {
    %c0_i32 = arith.constant 0 : i32
    %c0_i32_0 = arith.constant 0 : i32
    return %arg0, %c0_i32 : i32, i32
  }
  func.func @transform_14(%arg0: i32) -> (i32, i32) {
    %c0_i32 = arith.constant 0 : i32
    %c0_i32_0 = arith.constant 0 : i32
    return %arg0, %c0_i32 : i32, i32
  }
}

module attributes {stable_mosaic.version = 14 : i64} {
  func.func @_k4_body(%arg0: i32, %arg1: memref<400x24xf32, #tpu.memory_space<vmem>>, %arg2: memref<24x1000xf32, #tpu.memory_space<vmem>>, %arg3: memref<400x3xi32, #tpu.memory_space<vmem>>, %arg4: memref<400x3xf32, #tpu.memory_space<vmem>>, %arg5: memref<400x3xf32, #tpu.memory_space<vmem>>, %arg6: memref<1x1x8xf32, #tpu.memory_space<vmem>>) attributes {dimension_semantics = [#tpu.dimension_semantics<arbitrary>], iteration_bounds = array<i64: 125>, scalar_prefetch = 0 : i64, scratch_operands = 0 : i64, tpu.core_type = #tpu.core_type<tc>, window_params = [{transform_indices = @transform_0, window_bounds = array<i64: 400, 24>}, {pipeline_mode = #tpu.pipeline_mode<synchronous>, transform_indices = @transform_1, window_bounds = array<i64: 24, 1000>}, {transform_indices = @transform_2, window_bounds = array<i64: 400, 3>}, {transform_indices = @transform_3, window_bounds = array<i64: 400, 3>}, {transform_indices = @transform_4, window_bounds = array<i64: 400, 3>}, {transform_indices = @transform_5, window_bounds = array<i64: 1, 1, 8>}]} {
    %get3A = arith.constant 0 : index
    %get3A_0 = arith.constant 0 : index
    %get3A_1 = vector.load %arg1[%get3A, %get3A_0] : memref<400x24xf32, #tpu.memory_space<vmem>>, vector<400x24xf32>
    %get3A_2 = arith.constant 0 : index
    %get3A_3 = arith.constant 0 : index
    %get3A_4 = vector.load %arg2[%get3A_2, %get3A_3] : memref<24x1000xf32, #tpu.memory_space<vmem>>, vector<24x1000xf32>
    %dot_general3A = arith.constant dense<0.000000e+00> : vector<400x1000xf32>
    %dot_general3A_5 = tpu.matmul %get3A_1, %get3A_4, %dot_general3A {dimension_numbers = #tpu.dot_dimension_numbers<[1], [0], [0], [1], [0, 0, 1, 1], [], []>, transpose_lhs_hint = false} : vector<400x24xf32>, vector<24x1000xf32>, vector<400x1000xf32> -> vector<400x1000xf32>
    %mul3A = arith.mulf %get3A_1, %get3A_1 : vector<400x24xf32>
    %reduce_sum3A = arith.constant dense<0.000000e+00> : vector<400xf32>
    %reduce_sum3A_6 = vector.multi_reduction <add>, %mul3A, %reduce_sum3A [1] : vector<400x24xf32> to vector<400xf32>
    %broadcast_in_dim3A = vector.shape_cast %reduce_sum3A_6 : vector<400xf32> to vector<400x1xf32>
    %get3A_7 = arith.constant 0 : index
    %get3A_8 = arith.constant 0 : index
    %get3A_9 = vector.load %arg2[%get3A_7, %get3A_8] : memref<24x1000xf32, #tpu.memory_space<vmem>>, vector<24x1000xf32>
    %get3A_10 = arith.constant 0 : index
    %get3A_11 = arith.constant 0 : index
    %get3A_12 = vector.load %arg2[%get3A_10, %get3A_11] : memref<24x1000xf32, #tpu.memory_space<vmem>>, vector<24x1000xf32>
    %mul3A_13 = arith.mulf %get3A_9, %get3A_12 : vector<24x1000xf32>
    %reduce_sum3A_14 = arith.constant dense<0.000000e+00> : vector<1000xf32>
    %reduce_sum3A_15 = vector.multi_reduction <add>, %mul3A_13, %reduce_sum3A_14 [0] : vector<24x1000xf32> to vector<1000xf32>
    %broadcast_in_dim3A_16 = vector.shape_cast %reduce_sum3A_15 : vector<1000xf32> to vector<1x1000xf32>
    %mul3A_17 = arith.constant 2.000000e+00 : f32
    %mul3A_18 = vector.broadcast %mul3A_17 : f32 to vector<400x1000xf32>
    %mul3A_19 = arith.mulf %mul3A_18, %dot_general3A_5 : vector<400x1000xf32>
    %sub3A = vector.broadcast %broadcast_in_dim3A : vector<400x1xf32> to vector<400x1000xf32>
    %sub3A_20 = arith.subf %sub3A, %mul3A_19 : vector<400x1000xf32>
    %add3A = vector.broadcast %broadcast_in_dim3A_16 : vector<1x1000xf32> to vector<400x1000xf32>
    %add3A_21 = arith.addf %sub3A_20, %add3A : vector<400x1000xf32>
    %neg3A = arith.constant 0.000000e+00 : f32
    %neg3A_22 = vector.broadcast %neg3A : f32 to vector<400x1000xf32>
    %neg3A_23 = arith.subf %neg3A_22, %add3A_21 : vector<400x1000xf32>
    %iota3A = tpu.iota {dimensions = array<i32: 1>} : vector<400x1000xi32>
    %reduce_max3A = arith.constant dense<0xFF800000> : vector<400xf32>
    %reduce_max3A_24 = vector.multi_reduction <maximumf>, %neg3A_23, %reduce_max3A [1] : vector<400x1000xf32> to vector<400xf32>
    %broadcast_in_dim3A_25 = vector.shape_cast %reduce_max3A_24 : vector<400xf32> to vector<400x1xf32>
    %eq3A = vector.broadcast %broadcast_in_dim3A_25 : vector<400x1xf32> to vector<400x1000xf32>
    %eq3A_26 = arith.cmpf oeq, %neg3A_23, %eq3A : vector<400x1000xf32>
    %jit3A = arith.constant 1000 : i32
    %broadcast_in_dim3A_27 = vector.broadcast %jit3A : i32 to vector<400x1000xi32>
    %select_n3A = arith.select %eq3A_26, %iota3A, %broadcast_in_dim3A_27 : vector<400x1000xi1>, vector<400x1000xi32>
    %reduce_min3A = arith.constant dense<2147483647> : vector<400xi32>
    %reduce_min3A_28 = vector.multi_reduction <minsi>, %select_n3A, %reduce_min3A [1] : vector<400x1000xi32> to vector<400xi32>
    %broadcast_in_dim3A_29 = vector.shape_cast %reduce_min3A_28 : vector<400xi32> to vector<400x1xi32>
    %eq3A_30 = vector.broadcast %broadcast_in_dim3A_29 : vector<400x1xi32> to vector<400x1000xi32>
    %eq3A_31 = arith.cmpi eq, %iota3A, %eq3A_30 : vector<400x1000xi32>
    %broadcast_in_dim3A_32 = vector.shape_cast %reduce_min3A_28 : vector<400xi32> to vector<400x1xi32>
    %jit3A_33 = arith.constant 0.000000e+00 : f32
    %broadcast_in_dim3A_34 = vector.broadcast %jit3A_33 : f32 to vector<400x1000xf32>
    %select_n3A_35 = arith.select %eq3A_31, %dot_general3A_5, %broadcast_in_dim3A_34 : vector<400x1000xi1>, vector<400x1000xf32>
    %reduce_sum3A_36 = arith.constant dense<0.000000e+00> : vector<400xf32>
    %reduce_sum3A_37 = vector.multi_reduction <add>, %select_n3A_35, %reduce_sum3A_36 [1] : vector<400x1000xf32> to vector<400xf32>
    %broadcast_in_dim3A_38 = vector.shape_cast %reduce_sum3A_37 : vector<400xf32> to vector<400x1xf32>
    %neg3A_39 = arith.constant 0.000000e+00 : f32
    %neg3A_40 = vector.broadcast %neg3A_39 : f32 to vector<400x1xf32>
    %neg3A_41 = arith.subf %neg3A_40, %broadcast_in_dim3A_25 : vector<400x1xf32>
    %le3A = arith.constant 1.000000e+00 : f32
    %le3A_42 = vector.broadcast %le3A : f32 to vector<400x1xf32>
    %le3A_43 = arith.cmpf ole, %neg3A_41, %le3A_42 : vector<400x1xf32>
    %convert_element_type3A = arith.extui %le3A_43 : vector<400x1xi1> to vector<400x1xi32>
    %convert_element_type3A_44 = arith.sitofp %convert_element_type3A : vector<400x1xi32> to vector<400x1xf32>
    %jit3A_45 = arith.constant 0xFF800000 : f32
    %broadcast_in_dim3A_46 = vector.broadcast %jit3A_45 : f32 to vector<400x1000xf32>
    %select_n3A_47 = arith.select %eq3A_31, %broadcast_in_dim3A_46, %neg3A_23 : vector<400x1000xi1>, vector<400x1000xf32>
    %reduce_max3A_48 = arith.constant dense<0xFF800000> : vector<400xf32>
    %reduce_max3A_49 = vector.multi_reduction <maximumf>, %select_n3A_47, %reduce_max3A_48 [1] : vector<400x1000xf32> to vector<400xf32>
    %broadcast_in_dim3A_50 = vector.shape_cast %reduce_max3A_49 : vector<400xf32> to vector<400x1xf32>
    %eq3A_51 = vector.broadcast %broadcast_in_dim3A_50 : vector<400x1xf32> to vector<400x1000xf32>
    %eq3A_52 = arith.cmpf oeq, %select_n3A_47, %eq3A_51 : vector<400x1000xf32>
    %jit3A_53 = arith.constant 1000 : i32
    %broadcast_in_dim3A_54 = vector.broadcast %jit3A_53 : i32 to vector<400x1000xi32>
    %select_n3A_55 = arith.select %eq3A_52, %iota3A, %broadcast_in_dim3A_54 : vector<400x1000xi1>, vector<400x1000xi32>
    %reduce_min3A_56 = arith.constant dense<2147483647> : vector<400xi32>
    %reduce_min3A_57 = vector.multi_reduction <minsi>, %select_n3A_55, %reduce_min3A_56 [1] : vector<400x1000xi32> to vector<400xi32>
    %broadcast_in_dim3A_58 = vector.shape_cast %reduce_min3A_57 : vector<400xi32> to vector<400x1xi32>
    %eq3A_59 = vector.broadcast %broadcast_in_dim3A_58 : vector<400x1xi32> to vector<400x1000xi32>
    %eq3A_60 = arith.cmpi eq, %iota3A, %eq3A_59 : vector<400x1000xi32>
    %broadcast_in_dim3A_61 = vector.shape_cast %reduce_min3A_57 : vector<400xi32> to vector<400x1xi32>
    %jit3A_62 = arith.constant 0.000000e+00 : f32
    %broadcast_in_dim3A_63 = vector.broadcast %jit3A_62 : f32 to vector<400x1000xf32>
    %select_n3A_64 = arith.select %eq3A_60, %dot_general3A_5, %broadcast_in_dim3A_63 : vector<400x1000xi1>, vector<400x1000xf32>
    %reduce_sum3A_65 = arith.constant dense<0.000000e+00> : vector<400xf32>
    %reduce_sum3A_66 = vector.multi_reduction <add>, %select_n3A_64, %reduce_sum3A_65 [1] : vector<400x1000xf32> to vector<400xf32>
    %broadcast_in_dim3A_67 = vector.shape_cast %reduce_sum3A_66 : vector<400xf32> to vector<400x1xf32>
    %neg3A_68 = arith.constant 0.000000e+00 : f32
    %neg3A_69 = vector.broadcast %neg3A_68 : f32 to vector<400x1xf32>
    %neg3A_70 = arith.subf %neg3A_69, %broadcast_in_dim3A_50 : vector<400x1xf32>
    %le3A_71 = arith.constant 1.000000e+00 : f32
    %le3A_72 = vector.broadcast %le3A_71 : f32 to vector<400x1xf32>
    %le3A_73 = arith.cmpf ole, %neg3A_70, %le3A_72 : vector<400x1xf32>
    %convert_element_type3A_74 = arith.extui %le3A_73 : vector<400x1xi1> to vector<400x1xi32>
    %convert_element_type3A_75 = arith.sitofp %convert_element_type3A_74 : vector<400x1xi32> to vector<400x1xf32>
    %jit3A_76 = arith.constant 0xFF800000 : f32
    %broadcast_in_dim3A_77 = vector.broadcast %jit3A_76 : f32 to vector<400x1000xf32>
    %select_n3A_78 = arith.select %eq3A_60, %broadcast_in_dim3A_77, %select_n3A_47 : vector<400x1000xi1>, vector<400x1000xf32>
    %reduce_max3A_79 = arith.constant dense<0xFF800000> : vector<400xf32>
    %reduce_max3A_80 = vector.multi_reduction <maximumf>, %select_n3A_78, %reduce_max3A_79 [1] : vector<400x1000xf32> to vector<400xf32>
    %broadcast_in_dim3A_81 = vector.shape_cast %reduce_max3A_80 : vector<400xf32> to vector<400x1xf32>
    %eq3A_82 = vector.broadcast %broadcast_in_dim3A_81 : vector<400x1xf32> to vector<400x1000xf32>
    %eq3A_83 = arith.cmpf oeq, %select_n3A_78, %eq3A_82 : vector<400x1000xf32>
    %jit3A_84 = arith.constant 1000 : i32
    %broadcast_in_dim3A_85 = vector.broadcast %jit3A_84 : i32 to vector<400x1000xi32>
    %select_n3A_86 = arith.select %eq3A_83, %iota3A, %broadcast_in_dim3A_85 : vector<400x1000xi1>, vector<400x1000xi32>
    %reduce_min3A_87 = arith.constant dense<2147483647> : vector<400xi32>
    %reduce_min3A_88 = vector.multi_reduction <minsi>, %select_n3A_86, %reduce_min3A_87 [1] : vector<400x1000xi32> to vector<400xi32>
    %broadcast_in_dim3A_89 = vector.shape_cast %reduce_min3A_88 : vector<400xi32> to vector<400x1xi32>
    %eq3A_90 = vector.broadcast %broadcast_in_dim3A_89 : vector<400x1xi32> to vector<400x1000xi32>
    %eq3A_91 = arith.cmpi eq, %iota3A, %eq3A_90 : vector<400x1000xi32>
    %broadcast_in_dim3A_92 = vector.shape_cast %reduce_min3A_88 : vector<400xi32> to vector<400x1xi32>
    %jit3A_93 = arith.constant 0.000000e+00 : f32
    %broadcast_in_dim3A_94 = vector.broadcast %jit3A_93 : f32 to vector<400x1000xf32>
    %select_n3A_95 = arith.select %eq3A_91, %dot_general3A_5, %broadcast_in_dim3A_94 : vector<400x1000xi1>, vector<400x1000xf32>
    %reduce_sum3A_96 = arith.constant dense<0.000000e+00> : vector<400xf32>
    %reduce_sum3A_97 = vector.multi_reduction <add>, %select_n3A_95, %reduce_sum3A_96 [1] : vector<400x1000xf32> to vector<400xf32>
    %broadcast_in_dim3A_98 = vector.shape_cast %reduce_sum3A_97 : vector<400xf32> to vector<400x1xf32>
    %neg3A_99 = arith.constant 0.000000e+00 : f32
    %neg3A_100 = vector.broadcast %neg3A_99 : f32 to vector<400x1xf32>
    %neg3A_101 = arith.subf %neg3A_100, %broadcast_in_dim3A_81 : vector<400x1xf32>
    %le3A_102 = arith.constant 1.000000e+00 : f32
    %le3A_103 = vector.broadcast %le3A_102 : f32 to vector<400x1xf32>
    %le3A_104 = arith.cmpf ole, %neg3A_101, %le3A_103 : vector<400x1xf32>
    %convert_element_type3A_105 = arith.extui %le3A_104 : vector<400x1xi1> to vector<400x1xi32>
    %convert_element_type3A_106 = arith.sitofp %convert_element_type3A_105 : vector<400x1xi32> to vector<400x1xf32>
    %concatenate3A = tpu.concatenate %broadcast_in_dim3A_38, %broadcast_in_dim3A_67, %broadcast_in_dim3A_98 in 1 : vector<400x1xf32>, vector<400x1xf32>, vector<400x1xf32> -> vector<400x3xf32>
    %concatenate3A_107 = tpu.concatenate %broadcast_in_dim3A_32, %broadcast_in_dim3A_61, %broadcast_in_dim3A_92 in 1 : vector<400x1xi32>, vector<400x1xi32>, vector<400x1xi32> -> vector<400x3xi32>
    %swap3A = arith.constant 0 : index
    %swap3A_108 = arith.constant 0 : index
    %swap3A_109 = vector.load %arg3[%swap3A, %swap3A_108] : memref<400x3xi32, #tpu.memory_space<vmem>>, vector<400x3xi32>
    tpu.vector_store %arg3[%swap3A, %swap3A_108], %concatenate3A_107 {strides = array<i32>} : memref<400x3xi32, #tpu.memory_space<vmem>>, vector<400x3xi32>,
    %swap3A_110 = arith.constant 0 : index
    %swap3A_111 = arith.constant 0 : index
    %swap3A_112 = vector.load %arg4[%swap3A_110, %swap3A_111] : memref<400x3xf32, #tpu.memory_space<vmem>>, vector<400x3xf32>
    tpu.vector_store %arg4[%swap3A_110, %swap3A_111], %concatenate3A {strides = array<i32>} : memref<400x3xf32, #tpu.memory_space<vmem>>, vector<400x3xf32>,
    %concatenate3A_113 = tpu.concatenate %convert_element_type3A_44, %convert_element_type3A_75, %convert_element_type3A_106 in 1 : vector<400x1xf32>, vector<400x1xf32>, vector<400x1xf32> -> vector<400x3xf32>
    %swap3A_114 = arith.constant 0 : index
    %swap3A_115 = arith.constant 0 : index
    %swap3A_116 = vector.load %arg5[%swap3A_114, %swap3A_115] : memref<400x3xf32, #tpu.memory_space<vmem>>, vector<400x3xf32>
    tpu.vector_store %arg5[%swap3A_114, %swap3A_115], %concatenate3A_113 {strides = array<i32>} : memref<400x3xf32, #tpu.memory_space<vmem>>, vector<400x3xf32>,
    %reduce_sum3A_117 = vector.shape_cast %concatenate3A : vector<400x3xf32> to vector<1x400x3xf32>
    %reduce_sum3A_118 = arith.constant dense<0.000000e+00> : vector<1xf32>
    %reduce_sum3A_119 = vector.multi_reduction <add>, %reduce_sum3A_117, %reduce_sum3A_118 [1, 2] : vector<1x400x3xf32> to vector<1xf32>
    %reduce_sum3A_120 = vector.shape_cast %reduce_sum3A_119 : vector<1xf32> to vector<1x1x1xf32>
    %reduce_sum3A_121 = vector.extract %reduce_sum3A_120[0, 0, 0] : f32 from vector<1x1x1xf32>
    %mul3A_122 = arith.mulf %concatenate3A, %concatenate3A : vector<400x3xf32>
    %reduce_sum3A_123 = vector.shape_cast %mul3A_122 : vector<400x3xf32> to vector<1x400x3xf32>
    %reduce_sum3A_124 = arith.constant dense<0.000000e+00> : vector<1xf32>
    %reduce_sum3A_125 = vector.multi_reduction <add>, %reduce_sum3A_123, %reduce_sum3A_124 [1, 2] : vector<1x400x3xf32> to vector<1xf32>
    %reduce_sum3A_126 = vector.shape_cast %reduce_sum3A_125 : vector<1xf32> to vector<1x1x1xf32>
    %reduce_sum3A_127 = vector.extract %reduce_sum3A_126[0, 0, 0] : f32 from vector<1x1x1xf32>
    %broadcast_in_dim3A_128 = vector.broadcast %reduce_sum3A_121 : f32 to vector<1x1x1xf32>
    %broadcast_in_dim3A_129 = vector.broadcast %reduce_sum3A_127 : f32 to vector<1x1x1xf32>
    %broadcast_in_dim3A_130 = arith.constant 0.000000e+00 : f32
    %broadcast_in_dim3A_131 = vector.broadcast %broadcast_in_dim3A_130 : f32 to vector<1x1x6xf32>
    %concatenate3A_132 = tpu.concatenate %broadcast_in_dim3A_128, %broadcast_in_dim3A_129, %broadcast_in_dim3A_131 in 2 : vector<1x1x1xf32>, vector<1x1x1xf32>, vector<1x1x6xf32> -> vector<1x1x8xf32>
    %swap3A_133 = arith.constant 0 : index
    %swap3A_134 = arith.constant 0 : index
    %swap3A_135 = arith.constant 0 : index
    %swap3A_136 = vector.load %arg6[%swap3A_133, %swap3A_134, %swap3A_135] : memref<1x1x8xf32, #tpu.memory_space<vmem>>, vector<1x1x8xf32>
    tpu.vector_store %arg6[%swap3A_133, %swap3A_134, %swap3A_135], %concatenate3A_132 {strides = array<i32>} : memref<1x1x8xf32, #tpu.memory_space<vmem>>, vector<1x1x8xf32>,
    return
  }
  func.func @transform_0(%arg0: i32) -> (i32, i32) {
    %c0_i32 = arith.constant 0 : i32
    %c0_i32_0 = arith.constant 0 : i32
    return %arg0, %c0_i32 : i32, i32
  }
  func.func @transform_1(%arg0: i32) -> (i32, i32) {
    %c0_i32 = arith.constant 0 : i32
    %c0_i32_0 = arith.constant 0 : i32
    %c0_i32_1 = arith.constant 0 : i32
    return %c0_i32, %c0_i32_0 : i32, i32
  }
  func.func @transform_2(%arg0: i32) -> (i32, i32) {
    %c0_i32 = arith.constant 0 : i32
    %c0_i32_0 = arith.constant 0 : i32
    return %arg0, %c0_i32 : i32, i32
  }
  func.func @transform_3(%arg0: i32) -> (i32, i32) {
    %c0_i32 = arith.constant 0 : i32
    %c0_i32_0 = arith.constant 0 : i32
    return %arg0, %c0_i32 : i32, i32
  }
  func.func @transform_4(%arg0: i32) -> (i32, i32) {
    %c0_i32 = arith.constant 0 : i32
    %c0_i32_0 = arith.constant 0 : i32
    return %arg0, %c0_i32 : i32, i32
  }
  func.func @transform_5(%arg0: i32) -> (i32, i32, i32) {
    %c0_i32 = arith.constant 0 : i32
    %c0_i32_0 = arith.constant 0 : i32
    %c0_i32_1 = arith.constant 0 : i32
    return %arg0, %c0_i32, %c0_i32_0 : i32, i32, i32
  }
}

module attributes {stable_mosaic.version = 14 : i64} {
  func.func @_k5_body(%arg0: i32, %arg1: memref<400x3xf32, #tpu.memory_space<vmem>>, %arg2: memref<400x3xf32, #tpu.memory_space<vmem>>, %arg3: memref<400x128xf32, #tpu.memory_space<vmem>>, %arg4: memref<125x1x8xf32, #tpu.memory_space<vmem>>, %arg5: memref<1x1xf32, #tpu.memory_space<vmem>>, %arg6: memref<1x1xf32, #tpu.memory_space<vmem>>, %arg7: memref<400x3xf32, #tpu.memory_space<vmem>>, %arg8: memref<400x384xf32, #tpu.memory_space<vmem>>) attributes {dimension_semantics = [#tpu.dimension_semantics<arbitrary>], iteration_bounds = array<i64: 125>, scalar_prefetch = 0 : i64, scratch_operands = 0 : i64, tpu.core_type = #tpu.core_type<tc>, window_params = [{transform_indices = @transform_0, window_bounds = array<i64: 400, 3>}, {transform_indices = @transform_1, window_bounds = array<i64: 400, 3>}, {transform_indices = @transform_2, window_bounds = array<i64: 400, 128>}, {pipeline_mode = #tpu.pipeline_mode<synchronous>, transform_indices = @transform_3, window_bounds = array<i64: 125, 1, 8>}, {pipeline_mode = #tpu.pipeline_mode<synchronous>, transform_indices = @transform_4, window_bounds = array<i64: 1, 1>}, {pipeline_mode = #tpu.pipeline_mode<synchronous>, transform_indices = @transform_5, window_bounds = array<i64: 1, 1>}, {transform_indices = @transform_6, window_bounds = array<i64: 400, 3>}, {transform_indices = @transform_7, window_bounds = array<i64: 400, 384>}]} {
    %get3A = arith.constant 0 : index
    %get3A_0 = arith.constant 0 : index
    %get3A_1 = arith.constant 0 : index
    %get3A_2 = vector.load %arg4[%get3A, %get3A_0, %get3A_1] : memref<125x1x8xf32, #tpu.memory_space<vmem>>, vector<125x1x8xf32>
    %slice3A = vector.extract_strided_slice %get3A_2 {offsets = [0, 0, 0], sizes = [125, 1, 1], strides = [1, 1, 1]} : vector<125x1x8xf32> to vector<125x1x1xf32>
    %squeeze3A = vector.shape_cast %slice3A : vector<125x1x1xf32> to vector<125x1xf32>
    %reduce_sum3A = vector.shape_cast %squeeze3A : vector<125x1xf32> to vector<1x125x1xf32>
    %reduce_sum3A_3 = arith.constant dense<0.000000e+00> : vector<1xf32>
    %reduce_sum3A_4 = vector.multi_reduction <add>, %reduce_sum3A, %reduce_sum3A_3 [1, 2] : vector<1x125x1xf32> to vector<1xf32>
    %reduce_sum3A_5 = vector.shape_cast %reduce_sum3A_4 : vector<1xf32> to vector<1x1x1xf32>
    %reduce_sum3A_6 = vector.extract %reduce_sum3A_5[0, 0, 0] : f32 from vector<1x1x1xf32>
    %slice3A_7 = vector.extract_strided_slice %get3A_2 {offsets = [0, 0, 1], sizes = [125, 1, 1], strides = [1, 1, 1]} : vector<125x1x8xf32> to vector<125x1x1xf32>
    %squeeze3A_8 = vector.shape_cast %slice3A_7 : vector<125x1x1xf32> to vector<125x1xf32>
    %reduce_sum3A_9 = vector.shape_cast %squeeze3A_8 : vector<125x1xf32> to vector<1x125x1xf32>
    %reduce_sum3A_10 = arith.constant dense<0.000000e+00> : vector<1xf32>
    %reduce_sum3A_11 = vector.multi_reduction <add>, %reduce_sum3A_9, %reduce_sum3A_10 [1, 2] : vector<1x125x1xf32> to vector<1xf32>
    %reduce_sum3A_12 = vector.shape_cast %reduce_sum3A_11 : vector<1xf32> to vector<1x1x1xf32>
    %reduce_sum3A_13 = vector.extract %reduce_sum3A_12[0, 0, 0] : f32 from vector<1x1x1xf32>
    %div3A = arith.constant 1.500000e+05 : f32
    %div3A_14 = arith.divf %reduce_sum3A_6, %div3A : f32
    %div3A_15 = arith.constant 1.500000e+05 : f32
    %div3A_16 = arith.divf %reduce_sum3A_13, %div3A_15 : f32
    %mul3A = arith.mulf %div3A_14, %div3A_14 : f32
    %sub3A = arith.subf %div3A_16, %mul3A : f32
    %get3A_17 = arith.constant 0 : index
    %get3A_18 = arith.constant 0 : index
    %get3A_19 = vector.load %arg1[%get3A_17, %get3A_18] : memref<400x3xf32, #tpu.memory_space<vmem>>, vector<400x3xf32>
    %sub3A_20 = vector.broadcast %div3A_14 : f32 to vector<400x3xf32>
    %sub3A_21 = arith.subf %get3A_19, %sub3A_20 : vector<400x3xf32>
    %add3A = arith.constant 9.99999974E-6 : f32
    %add3A_22 = arith.addf %sub3A, %add3A : f32
    %sqrt3A = math.sqrt %add3A_22 : f32
    %div3A_23 = vector.broadcast %sqrt3A : f32 to vector<400x3xf32>
    %div3A_24 = arith.divf %sub3A_21, %div3A_23 : vector<400x3xf32>
    %get3A_25 = arith.constant 0 : index
    %get3A_26 = arith.constant 0 : index
    %get3A_27 = vector.load %arg5[%get3A_25, %get3A_26] : memref<1x1xf32, #tpu.memory_space<vmem>>, vector<1x1xf32>
    %get3A_28 = vector.extract %get3A_27[0, 0] : f32 from vector<1x1xf32>
    %mul3A_29 = vector.broadcast %get3A_28 : f32 to vector<400x3xf32>
    %mul3A_30 = arith.mulf %div3A_24, %mul3A_29 : vector<400x3xf32>
    %get3A_31 = arith.constant 0 : index
    %get3A_32 = arith.constant 0 : index
    %get3A_33 = vector.load %arg6[%get3A_31, %get3A_32] : memref<1x1xf32, #tpu.memory_space<vmem>>, vector<1x1xf32>
    %get3A_34 = vector.extract %get3A_33[0, 0] : f32 from vector<1x1xf32>
    %add3A_35 = vector.broadcast %get3A_34 : f32 to vector<400x3xf32>
    %add3A_36 = arith.addf %mul3A_30, %add3A_35 : vector<400x3xf32>
    %exp3A = math.exp %add3A_36 : vector<400x3xf32>
    %get3A_37 = arith.constant 0 : index
    %get3A_38 = arith.constant 0 : index
    %get3A_39 = vector.load %arg2[%get3A_37, %get3A_38] : memref<400x3xf32, #tpu.memory_space<vmem>>, vector<400x3xf32>
    %mul3A_40 = arith.mulf %exp3A, %get3A_39 : vector<400x3xf32>
    %reduce_sum3A_41 = arith.constant dense<0.000000e+00> : vector<400xf32>
    %reduce_sum3A_42 = vector.multi_reduction <add>, %mul3A_40, %reduce_sum3A_41 [1] : vector<400x3xf32> to vector<400xf32>
    %broadcast_in_dim3A = vector.shape_cast %reduce_sum3A_42 : vector<400xf32> to vector<400x1xf32>
    %add3A_43 = arith.constant 9.99999996E-13 : f32
    %add3A_44 = vector.broadcast %add3A_43 : f32 to vector<400x1xf32>
    %add3A_45 = arith.addf %add3A_44, %broadcast_in_dim3A : vector<400x1xf32>
    %div3A_46 = vector.broadcast %add3A_45 : vector<400x1xf32> to vector<400x3xf32>
    %div3A_47 = arith.divf %mul3A_40, %div3A_46 : vector<400x3xf32>
    %swap3A = arith.constant 0 : index
    %swap3A_48 = arith.constant 0 : index
    %swap3A_49 = vector.load %arg7[%swap3A, %swap3A_48] : memref<400x3xf32, #tpu.memory_space<vmem>>, vector<400x3xf32>
    tpu.vector_store %arg7[%swap3A, %swap3A_48], %div3A_47 {strides = array<i32>} : memref<400x3xf32, #tpu.memory_space<vmem>>, vector<400x3xf32>,
    %get3A_50 = arith.constant 0 : index
    %get3A_51 = arith.constant 0 : index
    %get3A_52 = vector.load %arg3[%get3A_50, %get3A_51] : memref<400x128xf32, #tpu.memory_space<vmem>>, vector<400x128xf32>
    %slice3A_53 = vector.extract_strided_slice %div3A_47 {offsets = [0, 0], sizes = [400, 1], strides = [1, 1]} : vector<400x3xf32> to vector<400x1xf32>
    %mul3A_54 = vector.broadcast %slice3A_53 : vector<400x1xf32> to vector<400x128xf32>
    %mul3A_55 = arith.mulf %get3A_52, %mul3A_54 : vector<400x128xf32>
    %slice3A_56 = vector.extract_strided_slice %div3A_47 {offsets = [0, 1], sizes = [400, 1], strides = [1, 1]} : vector<400x3xf32> to vector<400x1xf32>
    %mul3A_57 = vector.broadcast %slice3A_56 : vector<400x1xf32> to vector<400x128xf32>
    %mul3A_58 = arith.mulf %get3A_52, %mul3A_57 : vector<400x128xf32>
    %slice3A_59 = vector.extract_strided_slice %div3A_47 {offsets = [0, 2], sizes = [400, 1], strides = [1, 1]} : vector<400x3xf32> to vector<400x1xf32>
    %mul3A_60 = vector.broadcast %slice3A_59 : vector<400x1xf32> to vector<400x128xf32>
    %mul3A_61 = arith.mulf %get3A_52, %mul3A_60 : vector<400x128xf32>
    %concatenate3A = tpu.concatenate %mul3A_55, %mul3A_58, %mul3A_61 in 1 : vector<400x128xf32>, vector<400x128xf32>, vector<400x128xf32> -> vector<400x384xf32>
    %swap3A_62 = arith.constant 0 : index
    %swap3A_63 = arith.constant 0 : index
    %swap3A_64 = vector.load %arg8[%swap3A_62, %swap3A_63] : memref<400x384xf32, #tpu.memory_space<vmem>>, vector<400x384xf32>
    tpu.vector_store %arg8[%swap3A_62, %swap3A_63], %concatenate3A {strides = array<i32>} : memref<400x384xf32, #tpu.memory_space<vmem>>, vector<400x384xf32>,
    return
  }
  func.func @transform_0(%arg0: i32) -> (i32, i32) {
    %c0_i32 = arith.constant 0 : i32
    %c0_i32_0 = arith.constant 0 : i32
    return %arg0, %c0_i32 : i32, i32
  }
  func.func @transform_1(%arg0: i32) -> (i32, i32) {
    %c0_i32 = arith.constant 0 : i32
    %c0_i32_0 = arith.constant 0 : i32
    return %arg0, %c0_i32 : i32, i32
  }
  func.func @transform_2(%arg0: i32) -> (i32, i32) {
    %c0_i32 = arith.constant 0 : i32
    %c0_i32_0 = arith.constant 0 : i32
    return %arg0, %c0_i32 : i32, i32
  }
  func.func @transform_3(%arg0: i32) -> (i32, i32, i32) {
    %c0_i32 = arith.constant 0 : i32
    %c0_i32_0 = arith.constant 0 : i32
    %c0_i32_1 = arith.constant 0 : i32
    %c0_i32_2 = arith.constant 0 : i32
    return %c0_i32, %c0_i32_0, %c0_i32_1 : i32, i32, i32
  }
  func.func @transform_4(%arg0: i32) -> (i32, i32) {
    %c0_i32 = arith.constant 0 : i32
    %c0_i32_0 = arith.constant 0 : i32
    %c0_i32_1 = arith.constant 0 : i32
    return %c0_i32, %c0_i32_0 : i32, i32
  }
  func.func @transform_5(%arg0: i32) -> (i32, i32) {
    %c0_i32 = arith.constant 0 : i32
    %c0_i32_0 = arith.constant 0 : i32
    %c0_i32_1 = arith.constant 0 : i32
    return %c0_i32, %c0_i32_0 : i32, i32
  }
  func.func @transform_6(%arg0: i32) -> (i32, i32) {
    %c0_i32 = arith.constant 0 : i32
    %c0_i32_0 = arith.constant 0 : i32
    return %arg0, %c0_i32 : i32, i32
  }
  func.func @transform_7(%arg0: i32) -> (i32, i32) {
    %c0_i32 = arith.constant 0 : i32
    %c0_i32_0 = arith.constant 0 : i32
    return %arg0, %c0_i32 : i32, i32
  }
}

module attributes {stable_mosaic.version = 14 : i64} {
  func.func @_k3b_body(%arg0: memref<1000x24xf32, #tpu.memory_space<vmem>>, %arg1: memref<24x1000xf32, #tpu.memory_space<vmem>>, %arg2: memref<1x1xf32, #tpu.memory_space<vmem>>, %arg3: memref<1x1xf32, #tpu.memory_space<vmem>>, %arg4: memref<1000x10xi32, #tpu.memory_space<vmem>>, %arg5: memref<1000x10xf32, #tpu.memory_space<vmem>>) attributes {dimension_semantics = [], scalar_prefetch = 0 : i64, scratch_operands = 0 : i64, tpu.core_type = #tpu.core_type<tc>} {
    %get3A = arith.constant 0 : index
    %get3A_0 = arith.constant 0 : index
    %get3A_1 = vector.load %arg0[%get3A, %get3A_0] : memref<1000x24xf32, #tpu.memory_space<vmem>>, vector<1000x24xf32>
    %get3A_2 = arith.constant 0 : index
    %get3A_3 = arith.constant 0 : index
    %get3A_4 = vector.load %arg1[%get3A_2, %get3A_3] : memref<24x1000xf32, #tpu.memory_space<vmem>>, vector<24x1000xf32>
    %dot_general3A = arith.constant dense<0.000000e+00> : vector<1000x1000xf32>
    %dot_general3A_5 = tpu.matmul %get3A_1, %get3A_4, %dot_general3A {dimension_numbers = #tpu.dot_dimension_numbers<[1], [0], [0], [1], [0, 0, 1, 1], [], []>, transpose_lhs_hint = false} : vector<1000x24xf32>, vector<24x1000xf32>, vector<1000x1000xf32> -> vector<1000x1000xf32>
    %mul3A = arith.mulf %get3A_1, %get3A_1 : vector<1000x24xf32>
    %reduce_sum3A = arith.constant dense<0.000000e+00> : vector<1000xf32>
    %reduce_sum3A_6 = vector.multi_reduction <add>, %mul3A, %reduce_sum3A [1] : vector<1000x24xf32> to vector<1000xf32>
    %broadcast_in_dim3A = vector.shape_cast %reduce_sum3A_6 : vector<1000xf32> to vector<1000x1xf32>
    %get3A_7 = arith.constant 0 : index
    %get3A_8 = arith.constant 0 : index
    %get3A_9 = vector.load %arg1[%get3A_7, %get3A_8] : memref<24x1000xf32, #tpu.memory_space<vmem>>, vector<24x1000xf32>
    %get3A_10 = arith.constant 0 : index
    %get3A_11 = arith.constant 0 : index
    %get3A_12 = vector.load %arg1[%get3A_10, %get3A_11] : memref<24x1000xf32, #tpu.memory_space<vmem>>, vector<24x1000xf32>
    %mul3A_13 = arith.mulf %get3A_9, %get3A_12 : vector<24x1000xf32>
    %reduce_sum3A_14 = arith.constant dense<0.000000e+00> : vector<1000xf32>
    %reduce_sum3A_15 = vector.multi_reduction <add>, %mul3A_13, %reduce_sum3A_14 [0] : vector<24x1000xf32> to vector<1000xf32>
    %broadcast_in_dim3A_16 = vector.shape_cast %reduce_sum3A_15 : vector<1000xf32> to vector<1x1000xf32>
    %mul3A_17 = arith.constant 2.000000e+00 : f32
    %mul3A_18 = vector.broadcast %mul3A_17 : f32 to vector<1000x1000xf32>
    %mul3A_19 = arith.mulf %mul3A_18, %dot_general3A_5 : vector<1000x1000xf32>
    %sub3A = vector.broadcast %broadcast_in_dim3A : vector<1000x1xf32> to vector<1000x1000xf32>
    %sub3A_20 = arith.subf %sub3A, %mul3A_19 : vector<1000x1000xf32>
    %add3A = vector.broadcast %broadcast_in_dim3A_16 : vector<1x1000xf32> to vector<1000x1000xf32>
    %add3A_21 = arith.addf %sub3A_20, %add3A : vector<1000x1000xf32>
    %neg3A = arith.constant 0.000000e+00 : f32
    %neg3A_22 = vector.broadcast %neg3A : f32 to vector<1000x1000xf32>
    %neg3A_23 = arith.subf %neg3A_22, %add3A_21 : vector<1000x1000xf32>
    %iota3A = tpu.iota {dimensions = array<i32: 1>} : vector<1000x1000xi32>
    %reduce_max3A = arith.constant dense<0xFF800000> : vector<1000xf32>
    %reduce_max3A_24 = vector.multi_reduction <maximumf>, %neg3A_23, %reduce_max3A [1] : vector<1000x1000xf32> to vector<1000xf32>
    %broadcast_in_dim3A_25 = vector.shape_cast %reduce_max3A_24 : vector<1000xf32> to vector<1000x1xf32>
    %eq3A = vector.broadcast %broadcast_in_dim3A_25 : vector<1000x1xf32> to vector<1000x1000xf32>
    %eq3A_26 = arith.cmpf oeq, %neg3A_23, %eq3A : vector<1000x1000xf32>
    %jit3A = arith.constant 1000 : i32
    %broadcast_in_dim3A_27 = vector.broadcast %jit3A : i32 to vector<1000x1000xi32>
    %select_n3A = arith.select %eq3A_26, %iota3A, %broadcast_in_dim3A_27 : vector<1000x1000xi1>, vector<1000x1000xi32>
    %reduce_min3A = arith.constant dense<2147483647> : vector<1000xi32>
    %reduce_min3A_28 = vector.multi_reduction <minsi>, %select_n3A, %reduce_min3A [1] : vector<1000x1000xi32> to vector<1000xi32>
    %broadcast_in_dim3A_29 = vector.shape_cast %reduce_min3A_28 : vector<1000xi32> to vector<1000x1xi32>
    %eq3A_30 = vector.broadcast %broadcast_in_dim3A_29 : vector<1000x1xi32> to vector<1000x1000xi32>
    %eq3A_31 = arith.cmpi eq, %iota3A, %eq3A_30 : vector<1000x1000xi32>
    %broadcast_in_dim3A_32 = vector.shape_cast %reduce_min3A_28 : vector<1000xi32> to vector<1000x1xi32>
    %jit3A_33 = arith.constant 0.000000e+00 : f32
    %broadcast_in_dim3A_34 = vector.broadcast %jit3A_33 : f32 to vector<1000x1000xf32>
    %select_n3A_35 = arith.select %eq3A_31, %dot_general3A_5, %broadcast_in_dim3A_34 : vector<1000x1000xi1>, vector<1000x1000xf32>
    %reduce_sum3A_36 = arith.constant dense<0.000000e+00> : vector<1000xf32>
    %reduce_sum3A_37 = vector.multi_reduction <add>, %select_n3A_35, %reduce_sum3A_36 [1] : vector<1000x1000xf32> to vector<1000xf32>
    %broadcast_in_dim3A_38 = vector.shape_cast %reduce_sum3A_37 : vector<1000xf32> to vector<1000x1xf32>
    %neg3A_39 = arith.constant 0.000000e+00 : f32
    %neg3A_40 = vector.broadcast %neg3A_39 : f32 to vector<1000x1xf32>
    %neg3A_41 = arith.subf %neg3A_40, %broadcast_in_dim3A_25 : vector<1000x1xf32>
    %le3A = arith.constant 1.000000e+00 : f32
    %le3A_42 = vector.broadcast %le3A : f32 to vector<1000x1xf32>
    %le3A_43 = arith.cmpf ole, %neg3A_41, %le3A_42 : vector<1000x1xf32>
    %convert_element_type3A = arith.extui %le3A_43 : vector<1000x1xi1> to vector<1000x1xi32>
    %convert_element_type3A_44 = arith.sitofp %convert_element_type3A : vector<1000x1xi32> to vector<1000x1xf32>
    %jit3A_45 = arith.constant 0xFF800000 : f32
    %broadcast_in_dim3A_46 = vector.broadcast %jit3A_45 : f32 to vector<1000x1000xf32>
    %select_n3A_47 = arith.select %eq3A_31, %broadcast_in_dim3A_46, %neg3A_23 : vector<1000x1000xi1>, vector<1000x1000xf32>
    %reduce_max3A_48 = arith.constant dense<0xFF800000> : vector<1000xf32>
    %reduce_max3A_49 = vector.multi_reduction <maximumf>, %select_n3A_47, %reduce_max3A_48 [1] : vector<1000x1000xf32> to vector<1000xf32>
    %broadcast_in_dim3A_50 = vector.shape_cast %reduce_max3A_49 : vector<1000xf32> to vector<1000x1xf32>
    %eq3A_51 = vector.broadcast %broadcast_in_dim3A_50 : vector<1000x1xf32> to vector<1000x1000xf32>
    %eq3A_52 = arith.cmpf oeq, %select_n3A_47, %eq3A_51 : vector<1000x1000xf32>
    %jit3A_53 = arith.constant 1000 : i32
    %broadcast_in_dim3A_54 = vector.broadcast %jit3A_53 : i32 to vector<1000x1000xi32>
    %select_n3A_55 = arith.select %eq3A_52, %iota3A, %broadcast_in_dim3A_54 : vector<1000x1000xi1>, vector<1000x1000xi32>
    %reduce_min3A_56 = arith.constant dense<2147483647> : vector<1000xi32>
    %reduce_min3A_57 = vector.multi_reduction <minsi>, %select_n3A_55, %reduce_min3A_56 [1] : vector<1000x1000xi32> to vector<1000xi32>
    %broadcast_in_dim3A_58 = vector.shape_cast %reduce_min3A_57 : vector<1000xi32> to vector<1000x1xi32>
    %eq3A_59 = vector.broadcast %broadcast_in_dim3A_58 : vector<1000x1xi32> to vector<1000x1000xi32>
    %eq3A_60 = arith.cmpi eq, %iota3A, %eq3A_59 : vector<1000x1000xi32>
    %broadcast_in_dim3A_61 = vector.shape_cast %reduce_min3A_57 : vector<1000xi32> to vector<1000x1xi32>
    %jit3A_62 = arith.constant 0.000000e+00 : f32
    %broadcast_in_dim3A_63 = vector.broadcast %jit3A_62 : f32 to vector<1000x1000xf32>
    %select_n3A_64 = arith.select %eq3A_60, %dot_general3A_5, %broadcast_in_dim3A_63 : vector<1000x1000xi1>, vector<1000x1000xf32>
    %reduce_sum3A_65 = arith.constant dense<0.000000e+00> : vector<1000xf32>
    %reduce_sum3A_66 = vector.multi_reduction <add>, %select_n3A_64, %reduce_sum3A_65 [1] : vector<1000x1000xf32> to vector<1000xf32>
    %broadcast_in_dim3A_67 = vector.shape_cast %reduce_sum3A_66 : vector<1000xf32> to vector<1000x1xf32>
    %neg3A_68 = arith.constant 0.000000e+00 : f32
    %neg3A_69 = vector.broadcast %neg3A_68 : f32 to vector<1000x1xf32>
    %neg3A_70 = arith.subf %neg3A_69, %broadcast_in_dim3A_50 : vector<1000x1xf32>
    %le3A_71 = arith.constant 1.000000e+00 : f32
    %le3A_72 = vector.broadcast %le3A_71 : f32 to vector<1000x1xf32>
    %le3A_73 = arith.cmpf ole, %neg3A_70, %le3A_72 : vector<1000x1xf32>
    %convert_element_type3A_74 = arith.extui %le3A_73 : vector<1000x1xi1> to vector<1000x1xi32>
    %convert_element_type3A_75 = arith.sitofp %convert_element_type3A_74 : vector<1000x1xi32> to vector<1000x1xf32>
    %jit3A_76 = arith.constant 0xFF800000 : f32
    %broadcast_in_dim3A_77 = vector.broadcast %jit3A_76 : f32 to vector<1000x1000xf32>
    %select_n3A_78 = arith.select %eq3A_60, %broadcast_in_dim3A_77, %select_n3A_47 : vector<1000x1000xi1>, vector<1000x1000xf32>
    %reduce_max3A_79 = arith.constant dense<0xFF800000> : vector<1000xf32>
    %reduce_max3A_80 = vector.multi_reduction <maximumf>, %select_n3A_78, %reduce_max3A_79 [1] : vector<1000x1000xf32> to vector<1000xf32>
    %broadcast_in_dim3A_81 = vector.shape_cast %reduce_max3A_80 : vector<1000xf32> to vector<1000x1xf32>
    %eq3A_82 = vector.broadcast %broadcast_in_dim3A_81 : vector<1000x1xf32> to vector<1000x1000xf32>
    %eq3A_83 = arith.cmpf oeq, %select_n3A_78, %eq3A_82 : vector<1000x1000xf32>
    %jit3A_84 = arith.constant 1000 : i32
    %broadcast_in_dim3A_85 = vector.broadcast %jit3A_84 : i32 to vector<1000x1000xi32>
    %select_n3A_86 = arith.select %eq3A_83, %iota3A, %broadcast_in_dim3A_85 : vector<1000x1000xi1>, vector<1000x1000xi32>
    %reduce_min3A_87 = arith.constant dense<2147483647> : vector<1000xi32>
    %reduce_min3A_88 = vector.multi_reduction <minsi>, %select_n3A_86, %reduce_min3A_87 [1] : vector<1000x1000xi32> to vector<1000xi32>
    %broadcast_in_dim3A_89 = vector.shape_cast %reduce_min3A_88 : vector<1000xi32> to vector<1000x1xi32>
    %eq3A_90 = vector.broadcast %broadcast_in_dim3A_89 : vector<1000x1xi32> to vector<1000x1000xi32>
    %eq3A_91 = arith.cmpi eq, %iota3A, %eq3A_90 : vector<1000x1000xi32>
    %broadcast_in_dim3A_92 = vector.shape_cast %reduce_min3A_88 : vector<1000xi32> to vector<1000x1xi32>
    %jit3A_93 = arith.constant 0.000000e+00 : f32
    %broadcast_in_dim3A_94 = vector.broadcast %jit3A_93 : f32 to vector<1000x1000xf32>
    %select_n3A_95 = arith.select %eq3A_91, %dot_general3A_5, %broadcast_in_dim3A_94 : vector<1000x1000xi1>, vector<1000x1000xf32>
    %reduce_sum3A_96 = arith.constant dense<0.000000e+00> : vector<1000xf32>
    %reduce_sum3A_97 = vector.multi_reduction <add>, %select_n3A_95, %reduce_sum3A_96 [1] : vector<1000x1000xf32> to vector<1000xf32>
    %broadcast_in_dim3A_98 = vector.shape_cast %reduce_sum3A_97 : vector<1000xf32> to vector<1000x1xf32>
    %neg3A_99 = arith.constant 0.000000e+00 : f32
    %neg3A_100 = vector.broadcast %neg3A_99 : f32 to vector<1000x1xf32>
    %neg3A_101 = arith.subf %neg3A_100, %broadcast_in_dim3A_81 : vector<1000x1xf32>
    %le3A_102 = arith.constant 1.000000e+00 : f32
    %le3A_103 = vector.broadcast %le3A_102 : f32 to vector<1000x1xf32>
    %le3A_104 = arith.cmpf ole, %neg3A_101, %le3A_103 : vector<1000x1xf32>
    %convert_element_type3A_105 = arith.extui %le3A_104 : vector<1000x1xi1> to vector<1000x1xi32>
    %convert_element_type3A_106 = arith.sitofp %convert_element_type3A_105 : vector<1000x1xi32> to vector<1000x1xf32>
    %jit3A_107 = arith.constant 0xFF800000 : f32
    %broadcast_in_dim3A_108 = vector.broadcast %jit3A_107 : f32 to vector<1000x1000xf32>
    %select_n3A_109 = arith.select %eq3A_91, %broadcast_in_dim3A_108, %select_n3A_78 : vector<1000x1000xi1>, vector<1000x1000xf32>
    %reduce_max3A_110 = arith.constant dense<0xFF800000> : vector<1000xf32>
    %reduce_max3A_111 = vector.multi_reduction <maximumf>, %select_n3A_109, %reduce_max3A_110 [1] : vector<1000x1000xf32> to vector<1000xf32>
    %broadcast_in_dim3A_112 = vector.shape_cast %reduce_max3A_111 : vector<1000xf32> to vector<1000x1xf32>
    %eq3A_113 = vector.broadcast %broadcast_in_dim3A_112 : vector<1000x1xf32> to vector<1000x1000xf32>
    %eq3A_114 = arith.cmpf oeq, %select_n3A_109, %eq3A_113 : vector<1000x1000xf32>
    %jit3A_115 = arith.constant 1000 : i32
    %broadcast_in_dim3A_116 = vector.broadcast %jit3A_115 : i32 to vector<1000x1000xi32>
    %select_n3A_117 = arith.select %eq3A_114, %iota3A, %broadcast_in_dim3A_116 : vector<1000x1000xi1>, vector<1000x1000xi32>
    %reduce_min3A_118 = arith.constant dense<2147483647> : vector<1000xi32>
    %reduce_min3A_119 = vector.multi_reduction <minsi>, %select_n3A_117, %reduce_min3A_118 [1] : vector<1000x1000xi32> to vector<1000xi32>
    %broadcast_in_dim3A_120 = vector.shape_cast %reduce_min3A_119 : vector<1000xi32> to vector<1000x1xi32>
    %eq3A_121 = vector.broadcast %broadcast_in_dim3A_120 : vector<1000x1xi32> to vector<1000x1000xi32>
    %eq3A_122 = arith.cmpi eq, %iota3A, %eq3A_121 : vector<1000x1000xi32>
    %broadcast_in_dim3A_123 = vector.shape_cast %reduce_min3A_119 : vector<1000xi32> to vector<1000x1xi32>
    %jit3A_124 = arith.constant 0.000000e+00 : f32
    %broadcast_in_dim3A_125 = vector.broadcast %jit3A_124 : f32 to vector<1000x1000xf32>
    %select_n3A_126 = arith.select %eq3A_122, %dot_general3A_5, %broadcast_in_dim3A_125 : vector<1000x1000xi1>, vector<1000x1000xf32>
    %reduce_sum3A_127 = arith.constant dense<0.000000e+00> : vector<1000xf32>
    %reduce_sum3A_128 = vector.multi_reduction <add>, %select_n3A_126, %reduce_sum3A_127 [1] : vector<1000x1000xf32> to vector<1000xf32>
    %broadcast_in_dim3A_129 = vector.shape_cast %reduce_sum3A_128 : vector<1000xf32> to vector<1000x1xf32>
    %neg3A_130 = arith.constant 0.000000e+00 : f32
    %neg3A_131 = vector.broadcast %neg3A_130 : f32 to vector<1000x1xf32>
    %neg3A_132 = arith.subf %neg3A_131, %broadcast_in_dim3A_112 : vector<1000x1xf32>
    %le3A_133 = arith.constant 1.000000e+00 : f32
    %le3A_134 = vector.broadcast %le3A_133 : f32 to vector<1000x1xf32>
    %le3A_135 = arith.cmpf ole, %neg3A_132, %le3A_134 : vector<1000x1xf32>
    %convert_element_type3A_136 = arith.extui %le3A_135 : vector<1000x1xi1> to vector<1000x1xi32>
    %convert_element_type3A_137 = arith.sitofp %convert_element_type3A_136 : vector<1000x1xi32> to vector<1000x1xf32>
    %jit3A_138 = arith.constant 0xFF800000 : f32
    %broadcast_in_dim3A_139 = vector.broadcast %jit3A_138 : f32 to vector<1000x1000xf32>
    %select_n3A_140 = arith.select %eq3A_122, %broadcast_in_dim3A_139, %select_n3A_109 : vector<1000x1000xi1>, vector<1000x1000xf32>
    %reduce_max3A_141 = arith.constant dense<0xFF800000> : vector<1000xf32>
    %reduce_max3A_142 = vector.multi_reduction <maximumf>, %select_n3A_140, %reduce_max3A_141 [1] : vector<1000x1000xf32> to vector<1000xf32>
    %broadcast_in_dim3A_143 = vector.shape_cast %reduce_max3A_142 : vector<1000xf32> to vector<1000x1xf32>
    %eq3A_144 = vector.broadcast %broadcast_in_dim3A_143 : vector<1000x1xf32> to vector<1000x1000xf32>
    %eq3A_145 = arith.cmpf oeq, %select_n3A_140, %eq3A_144 : vector<1000x1000xf32>
    %jit3A_146 = arith.constant 1000 : i32
    %broadcast_in_dim3A_147 = vector.broadcast %jit3A_146 : i32 to vector<1000x1000xi32>
    %select_n3A_148 = arith.select %eq3A_145, %iota3A, %broadcast_in_dim3A_147 : vector<1000x1000xi1>, vector<1000x1000xi32>
    %reduce_min3A_149 = arith.constant dense<2147483647> : vector<1000xi32>
    %reduce_min3A_150 = vector.multi_reduction <minsi>, %select_n3A_148, %reduce_min3A_149 [1] : vector<1000x1000xi32> to vector<1000xi32>
    %broadcast_in_dim3A_151 = vector.shape_cast %reduce_min3A_150 : vector<1000xi32> to vector<1000x1xi32>
    %eq3A_152 = vector.broadcast %broadcast_in_dim3A_151 : vector<1000x1xi32> to vector<1000x1000xi32>
    %eq3A_153 = arith.cmpi eq, %iota3A, %eq3A_152 : vector<1000x1000xi32>
    %broadcast_in_dim3A_154 = vector.shape_cast %reduce_min3A_150 : vector<1000xi32> to vector<1000x1xi32>
    %jit3A_155 = arith.constant 0.000000e+00 : f32
    %broadcast_in_dim3A_156 = vector.broadcast %jit3A_155 : f32 to vector<1000x1000xf32>
    %select_n3A_157 = arith.select %eq3A_153, %dot_general3A_5, %broadcast_in_dim3A_156 : vector<1000x1000xi1>, vector<1000x1000xf32>
    %reduce_sum3A_158 = arith.constant dense<0.000000e+00> : vector<1000xf32>
    %reduce_sum3A_159 = vector.multi_reduction <add>, %select_n3A_157, %reduce_sum3A_158 [1] : vector<1000x1000xf32> to vector<1000xf32>
    %broadcast_in_dim3A_160 = vector.shape_cast %reduce_sum3A_159 : vector<1000xf32> to vector<1000x1xf32>
    %neg3A_161 = arith.constant 0.000000e+00 : f32
    %neg3A_162 = vector.broadcast %neg3A_161 : f32 to vector<1000x1xf32>
    %neg3A_163 = arith.subf %neg3A_162, %broadcast_in_dim3A_143 : vector<1000x1xf32>
    %le3A_164 = arith.constant 1.000000e+00 : f32
    %le3A_165 = vector.broadcast %le3A_164 : f32 to vector<1000x1xf32>
    %le3A_166 = arith.cmpf ole, %neg3A_163, %le3A_165 : vector<1000x1xf32>
    %convert_element_type3A_167 = arith.extui %le3A_166 : vector<1000x1xi1> to vector<1000x1xi32>
    %convert_element_type3A_168 = arith.sitofp %convert_element_type3A_167 : vector<1000x1xi32> to vector<1000x1xf32>
    %jit3A_169 = arith.constant 0xFF800000 : f32
    %broadcast_in_dim3A_170 = vector.broadcast %jit3A_169 : f32 to vector<1000x1000xf32>
    %select_n3A_171 = arith.select %eq3A_153, %broadcast_in_dim3A_170, %select_n3A_140 : vector<1000x1000xi1>, vector<1000x1000xf32>
    %reduce_max3A_172 = arith.constant dense<0xFF800000> : vector<1000xf32>
    %reduce_max3A_173 = vector.multi_reduction <maximumf>, %select_n3A_171, %reduce_max3A_172 [1] : vector<1000x1000xf32> to vector<1000xf32>
    %broadcast_in_dim3A_174 = vector.shape_cast %reduce_max3A_173 : vector<1000xf32> to vector<1000x1xf32>
    %eq3A_175 = vector.broadcast %broadcast_in_dim3A_174 : vector<1000x1xf32> to vector<1000x1000xf32>
    %eq3A_176 = arith.cmpf oeq, %select_n3A_171, %eq3A_175 : vector<1000x1000xf32>
    %jit3A_177 = arith.constant 1000 : i32
    %broadcast_in_dim3A_178 = vector.broadcast %jit3A_177 : i32 to vector<1000x1000xi32>
    %select_n3A_179 = arith.select %eq3A_176, %iota3A, %broadcast_in_dim3A_178 : vector<1000x1000xi1>, vector<1000x1000xi32>
    %reduce_min3A_180 = arith.constant dense<2147483647> : vector<1000xi32>
    %reduce_min3A_181 = vector.multi_reduction <minsi>, %select_n3A_179, %reduce_min3A_180 [1] : vector<1000x1000xi32> to vector<1000xi32>
    %broadcast_in_dim3A_182 = vector.shape_cast %reduce_min3A_181 : vector<1000xi32> to vector<1000x1xi32>
    %eq3A_183 = vector.broadcast %broadcast_in_dim3A_182 : vector<1000x1xi32> to vector<1000x1000xi32>
    %eq3A_184 = arith.cmpi eq, %iota3A, %eq3A_183 : vector<1000x1000xi32>
    %broadcast_in_dim3A_185 = vector.shape_cast %reduce_min3A_181 : vector<1000xi32> to vector<1000x1xi32>
    %jit3A_186 = arith.constant 0.000000e+00 : f32
    %broadcast_in_dim3A_187 = vector.broadcast %jit3A_186 : f32 to vector<1000x1000xf32>
    %select_n3A_188 = arith.select %eq3A_184, %dot_general3A_5, %broadcast_in_dim3A_187 : vector<1000x1000xi1>, vector<1000x1000xf32>
    %reduce_sum3A_189 = arith.constant dense<0.000000e+00> : vector<1000xf32>
    %reduce_sum3A_190 = vector.multi_reduction <add>, %select_n3A_188, %reduce_sum3A_189 [1] : vector<1000x1000xf32> to vector<1000xf32>
    %broadcast_in_dim3A_191 = vector.shape_cast %reduce_sum3A_190 : vector<1000xf32> to vector<1000x1xf32>
    %neg3A_192 = arith.constant 0.000000e+00 : f32
    %neg3A_193 = vector.broadcast %neg3A_192 : f32 to vector<1000x1xf32>
    %neg3A_194 = arith.subf %neg3A_193, %broadcast_in_dim3A_174 : vector<1000x1xf32>
    %le3A_195 = arith.constant 1.000000e+00 : f32
    %le3A_196 = vector.broadcast %le3A_195 : f32 to vector<1000x1xf32>
    %le3A_197 = arith.cmpf ole, %neg3A_194, %le3A_196 : vector<1000x1xf32>
    %convert_element_type3A_198 = arith.extui %le3A_197 : vector<1000x1xi1> to vector<1000x1xi32>
    %convert_element_type3A_199 = arith.sitofp %convert_element_type3A_198 : vector<1000x1xi32> to vector<1000x1xf32>
    %jit3A_200 = arith.constant 0xFF800000 : f32
    %broadcast_in_dim3A_201 = vector.broadcast %jit3A_200 : f32 to vector<1000x1000xf32>
    %select_n3A_202 = arith.select %eq3A_184, %broadcast_in_dim3A_201, %select_n3A_171 : vector<1000x1000xi1>, vector<1000x1000xf32>
    %reduce_max3A_203 = arith.constant dense<0xFF800000> : vector<1000xf32>
    %reduce_max3A_204 = vector.multi_reduction <maximumf>, %select_n3A_202, %reduce_max3A_203 [1] : vector<1000x1000xf32> to vector<1000xf32>
    %broadcast_in_dim3A_205 = vector.shape_cast %reduce_max3A_204 : vector<1000xf32> to vector<1000x1xf32>
    %eq3A_206 = vector.broadcast %broadcast_in_dim3A_205 : vector<1000x1xf32> to vector<1000x1000xf32>
    %eq3A_207 = arith.cmpf oeq, %select_n3A_202, %eq3A_206 : vector<1000x1000xf32>
    %jit3A_208 = arith.constant 1000 : i32
    %broadcast_in_dim3A_209 = vector.broadcast %jit3A_208 : i32 to vector<1000x1000xi32>
    %select_n3A_210 = arith.select %eq3A_207, %iota3A, %broadcast_in_dim3A_209 : vector<1000x1000xi1>, vector<1000x1000xi32>
    %reduce_min3A_211 = arith.constant dense<2147483647> : vector<1000xi32>
    %reduce_min3A_212 = vector.multi_reduction <minsi>, %select_n3A_210, %reduce_min3A_211 [1] : vector<1000x1000xi32> to vector<1000xi32>
    %broadcast_in_dim3A_213 = vector.shape_cast %reduce_min3A_212 : vector<1000xi32> to vector<1000x1xi32>
    %eq3A_214 = vector.broadcast %broadcast_in_dim3A_213 : vector<1000x1xi32> to vector<1000x1000xi32>
    %eq3A_215 = arith.cmpi eq, %iota3A, %eq3A_214 : vector<1000x1000xi32>
    %broadcast_in_dim3A_216 = vector.shape_cast %reduce_min3A_212 : vector<1000xi32> to vector<1000x1xi32>
    %jit3A_217 = arith.constant 0.000000e+00 : f32
    %broadcast_in_dim3A_218 = vector.broadcast %jit3A_217 : f32 to vector<1000x1000xf32>
    %select_n3A_219 = arith.select %eq3A_215, %dot_general3A_5, %broadcast_in_dim3A_218 : vector<1000x1000xi1>, vector<1000x1000xf32>
    %reduce_sum3A_220 = arith.constant dense<0.000000e+00> : vector<1000xf32>
    %reduce_sum3A_221 = vector.multi_reduction <add>, %select_n3A_219, %reduce_sum3A_220 [1] : vector<1000x1000xf32> to vector<1000xf32>
    %broadcast_in_dim3A_222 = vector.shape_cast %reduce_sum3A_221 : vector<1000xf32> to vector<1000x1xf32>
    %neg3A_223 = arith.constant 0.000000e+00 : f32
    %neg3A_224 = vector.broadcast %neg3A_223 : f32 to vector<1000x1xf32>
    %neg3A_225 = arith.subf %neg3A_224, %broadcast_in_dim3A_205 : vector<1000x1xf32>
    %le3A_226 = arith.constant 1.000000e+00 : f32
    %le3A_227 = vector.broadcast %le3A_226 : f32 to vector<1000x1xf32>
    %le3A_228 = arith.cmpf ole, %neg3A_225, %le3A_227 : vector<1000x1xf32>
    %convert_element_type3A_229 = arith.extui %le3A_228 : vector<1000x1xi1> to vector<1000x1xi32>
    %convert_element_type3A_230 = arith.sitofp %convert_element_type3A_229 : vector<1000x1xi32> to vector<1000x1xf32>
    %jit3A_231 = arith.constant 0xFF800000 : f32
    %broadcast_in_dim3A_232 = vector.broadcast %jit3A_231 : f32 to vector<1000x1000xf32>
    %select_n3A_233 = arith.select %eq3A_215, %broadcast_in_dim3A_232, %select_n3A_202 : vector<1000x1000xi1>, vector<1000x1000xf32>
    %reduce_max3A_234 = arith.constant dense<0xFF800000> : vector<1000xf32>
    %reduce_max3A_235 = vector.multi_reduction <maximumf>, %select_n3A_233, %reduce_max3A_234 [1] : vector<1000x1000xf32> to vector<1000xf32>
    %broadcast_in_dim3A_236 = vector.shape_cast %reduce_max3A_235 : vector<1000xf32> to vector<1000x1xf32>
    %eq3A_237 = vector.broadcast %broadcast_in_dim3A_236 : vector<1000x1xf32> to vector<1000x1000xf32>
    %eq3A_238 = arith.cmpf oeq, %select_n3A_233, %eq3A_237 : vector<1000x1000xf32>
    %jit3A_239 = arith.constant 1000 : i32
    %broadcast_in_dim3A_240 = vector.broadcast %jit3A_239 : i32 to vector<1000x1000xi32>
    %select_n3A_241 = arith.select %eq3A_238, %iota3A, %broadcast_in_dim3A_240 : vector<1000x1000xi1>, vector<1000x1000xi32>
    %reduce_min3A_242 = arith.constant dense<2147483647> : vector<1000xi32>
    %reduce_min3A_243 = vector.multi_reduction <minsi>, %select_n3A_241, %reduce_min3A_242 [1] : vector<1000x1000xi32> to vector<1000xi32>
    %broadcast_in_dim3A_244 = vector.shape_cast %reduce_min3A_243 : vector<1000xi32> to vector<1000x1xi32>
    %eq3A_245 = vector.broadcast %broadcast_in_dim3A_244 : vector<1000x1xi32> to vector<1000x1000xi32>
    %eq3A_246 = arith.cmpi eq, %iota3A, %eq3A_245 : vector<1000x1000xi32>
    %broadcast_in_dim3A_247 = vector.shape_cast %reduce_min3A_243 : vector<1000xi32> to vector<1000x1xi32>
    %jit3A_248 = arith.constant 0.000000e+00 : f32
    %broadcast_in_dim3A_249 = vector.broadcast %jit3A_248 : f32 to vector<1000x1000xf32>
    %select_n3A_250 = arith.select %eq3A_246, %dot_general3A_5, %broadcast_in_dim3A_249 : vector<1000x1000xi1>, vector<1000x1000xf32>
    %reduce_sum3A_251 = arith.constant dense<0.000000e+00> : vector<1000xf32>
    %reduce_sum3A_252 = vector.multi_reduction <add>, %select_n3A_250, %reduce_sum3A_251 [1] : vector<1000x1000xf32> to vector<1000xf32>
    %broadcast_in_dim3A_253 = vector.shape_cast %reduce_sum3A_252 : vector<1000xf32> to vector<1000x1xf32>
    %neg3A_254 = arith.constant 0.000000e+00 : f32
    %neg3A_255 = vector.broadcast %neg3A_254 : f32 to vector<1000x1xf32>
    %neg3A_256 = arith.subf %neg3A_255, %broadcast_in_dim3A_236 : vector<1000x1xf32>
    %le3A_257 = arith.constant 1.000000e+00 : f32
    %le3A_258 = vector.broadcast %le3A_257 : f32 to vector<1000x1xf32>
    %le3A_259 = arith.cmpf ole, %neg3A_256, %le3A_258 : vector<1000x1xf32>
    %convert_element_type3A_260 = arith.extui %le3A_259 : vector<1000x1xi1> to vector<1000x1xi32>
    %convert_element_type3A_261 = arith.sitofp %convert_element_type3A_260 : vector<1000x1xi32> to vector<1000x1xf32>
    %jit3A_262 = arith.constant 0xFF800000 : f32
    %broadcast_in_dim3A_263 = vector.broadcast %jit3A_262 : f32 to vector<1000x1000xf32>
    %select_n3A_264 = arith.select %eq3A_246, %broadcast_in_dim3A_263, %select_n3A_233 : vector<1000x1000xi1>, vector<1000x1000xf32>
    %reduce_max3A_265 = arith.constant dense<0xFF800000> : vector<1000xf32>
    %reduce_max3A_266 = vector.multi_reduction <maximumf>, %select_n3A_264, %reduce_max3A_265 [1] : vector<1000x1000xf32> to vector<1000xf32>
    %broadcast_in_dim3A_267 = vector.shape_cast %reduce_max3A_266 : vector<1000xf32> to vector<1000x1xf32>
    %eq3A_268 = vector.broadcast %broadcast_in_dim3A_267 : vector<1000x1xf32> to vector<1000x1000xf32>
    %eq3A_269 = arith.cmpf oeq, %select_n3A_264, %eq3A_268 : vector<1000x1000xf32>
    %jit3A_270 = arith.constant 1000 : i32
    %broadcast_in_dim3A_271 = vector.broadcast %jit3A_270 : i32 to vector<1000x1000xi32>
    %select_n3A_272 = arith.select %eq3A_269, %iota3A, %broadcast_in_dim3A_271 : vector<1000x1000xi1>, vector<1000x1000xi32>
    %reduce_min3A_273 = arith.constant dense<2147483647> : vector<1000xi32>
    %reduce_min3A_274 = vector.multi_reduction <minsi>, %select_n3A_272, %reduce_min3A_273 [1] : vector<1000x1000xi32> to vector<1000xi32>
    %broadcast_in_dim3A_275 = vector.shape_cast %reduce_min3A_274 : vector<1000xi32> to vector<1000x1xi32>
    %eq3A_276 = vector.broadcast %broadcast_in_dim3A_275 : vector<1000x1xi32> to vector<1000x1000xi32>
    %eq3A_277 = arith.cmpi eq, %iota3A, %eq3A_276 : vector<1000x1000xi32>
    %broadcast_in_dim3A_278 = vector.shape_cast %reduce_min3A_274 : vector<1000xi32> to vector<1000x1xi32>
    %jit3A_279 = arith.constant 0.000000e+00 : f32
    %broadcast_in_dim3A_280 = vector.broadcast %jit3A_279 : f32 to vector<1000x1000xf32>
    %select_n3A_281 = arith.select %eq3A_277, %dot_general3A_5, %broadcast_in_dim3A_280 : vector<1000x1000xi1>, vector<1000x1000xf32>
    %reduce_sum3A_282 = arith.constant dense<0.000000e+00> : vector<1000xf32>
    %reduce_sum3A_283 = vector.multi_reduction <add>, %select_n3A_281, %reduce_sum3A_282 [1] : vector<1000x1000xf32> to vector<1000xf32>
    %broadcast_in_dim3A_284 = vector.shape_cast %reduce_sum3A_283 : vector<1000xf32> to vector<1000x1xf32>
    %neg3A_285 = arith.constant 0.000000e+00 : f32
    %neg3A_286 = vector.broadcast %neg3A_285 : f32 to vector<1000x1xf32>
    %neg3A_287 = arith.subf %neg3A_286, %broadcast_in_dim3A_267 : vector<1000x1xf32>
    %le3A_288 = arith.constant 1.000000e+00 : f32
    %le3A_289 = vector.broadcast %le3A_288 : f32 to vector<1000x1xf32>
    %le3A_290 = arith.cmpf ole, %neg3A_287, %le3A_289 : vector<1000x1xf32>
    %convert_element_type3A_291 = arith.extui %le3A_290 : vector<1000x1xi1> to vector<1000x1xi32>
    %convert_element_type3A_292 = arith.sitofp %convert_element_type3A_291 : vector<1000x1xi32> to vector<1000x1xf32>
    %jit3A_293 = arith.constant 0xFF800000 : f32
    %broadcast_in_dim3A_294 = vector.broadcast %jit3A_293 : f32 to vector<1000x1000xf32>
    %select_n3A_295 = arith.select %eq3A_277, %broadcast_in_dim3A_294, %select_n3A_264 : vector<1000x1000xi1>, vector<1000x1000xf32>
    %reduce_max3A_296 = arith.constant dense<0xFF800000> : vector<1000xf32>
    %reduce_max3A_297 = vector.multi_reduction <maximumf>, %select_n3A_295, %reduce_max3A_296 [1] : vector<1000x1000xf32> to vector<1000xf32>
    %broadcast_in_dim3A_298 = vector.shape_cast %reduce_max3A_297 : vector<1000xf32> to vector<1000x1xf32>
    %eq3A_299 = vector.broadcast %broadcast_in_dim3A_298 : vector<1000x1xf32> to vector<1000x1000xf32>
    %eq3A_300 = arith.cmpf oeq, %select_n3A_295, %eq3A_299 : vector<1000x1000xf32>
    %jit3A_301 = arith.constant 1000 : i32
    %broadcast_in_dim3A_302 = vector.broadcast %jit3A_301 : i32 to vector<1000x1000xi32>
    %select_n3A_303 = arith.select %eq3A_300, %iota3A, %broadcast_in_dim3A_302 : vector<1000x1000xi1>, vector<1000x1000xi32>
    %reduce_min3A_304 = arith.constant dense<2147483647> : vector<1000xi32>
    %reduce_min3A_305 = vector.multi_reduction <minsi>, %select_n3A_303, %reduce_min3A_304 [1] : vector<1000x1000xi32> to vector<1000xi32>
    %broadcast_in_dim3A_306 = vector.shape_cast %reduce_min3A_305 : vector<1000xi32> to vector<1000x1xi32>
    %eq3A_307 = vector.broadcast %broadcast_in_dim3A_306 : vector<1000x1xi32> to vector<1000x1000xi32>
    %eq3A_308 = arith.cmpi eq, %iota3A, %eq3A_307 : vector<1000x1000xi32>
    %broadcast_in_dim3A_309 = vector.shape_cast %reduce_min3A_305 : vector<1000xi32> to vector<1000x1xi32>
    %jit3A_310 = arith.constant 0.000000e+00 : f32
    %broadcast_in_dim3A_311 = vector.broadcast %jit3A_310 : f32 to vector<1000x1000xf32>
    %select_n3A_312 = arith.select %eq3A_308, %dot_general3A_5, %broadcast_in_dim3A_311 : vector<1000x1000xi1>, vector<1000x1000xf32>
    %reduce_sum3A_313 = arith.constant dense<0.000000e+00> : vector<1000xf32>
    %reduce_sum3A_314 = vector.multi_reduction <add>, %select_n3A_312, %reduce_sum3A_313 [1] : vector<1000x1000xf32> to vector<1000xf32>
    %broadcast_in_dim3A_315 = vector.shape_cast %reduce_sum3A_314 : vector<1000xf32> to vector<1000x1xf32>
    %neg3A_316 = arith.constant 0.000000e+00 : f32
    %neg3A_317 = vector.broadcast %neg3A_316 : f32 to vector<1000x1xf32>
    %neg3A_318 = arith.subf %neg3A_317, %broadcast_in_dim3A_298 : vector<1000x1xf32>
    %le3A_319 = arith.constant 1.000000e+00 : f32
    %le3A_320 = vector.broadcast %le3A_319 : f32 to vector<1000x1xf32>
    %le3A_321 = arith.cmpf ole, %neg3A_318, %le3A_320 : vector<1000x1xf32>
    %convert_element_type3A_322 = arith.extui %le3A_321 : vector<1000x1xi1> to vector<1000x1xi32>
    %convert_element_type3A_323 = arith.sitofp %convert_element_type3A_322 : vector<1000x1xi32> to vector<1000x1xf32>
    %concatenate3A = tpu.concatenate %broadcast_in_dim3A_38, %broadcast_in_dim3A_67, %broadcast_in_dim3A_98, %broadcast_in_dim3A_129, %broadcast_in_dim3A_160, %broadcast_in_dim3A_191, %broadcast_in_dim3A_222, %broadcast_in_dim3A_253, %broadcast_in_dim3A_284, %broadcast_in_dim3A_315 in 1 : vector<1000x1xf32>, vector<1000x1xf32>, vector<1000x1xf32>, vector<1000x1xf32>, vector<1000x1xf32>, vector<1000x1xf32>, vector<1000x1xf32>, vector<1000x1xf32>, vector<1000x1xf32>, vector<1000x1xf32> -> vector<1000x10xf32>
    %concatenate3A_324 = tpu.concatenate %convert_element_type3A_44, %convert_element_type3A_75, %convert_element_type3A_106, %convert_element_type3A_137, %convert_element_type3A_168, %convert_element_type3A_199, %convert_element_type3A_230, %convert_element_type3A_261, %convert_element_type3A_292, %convert_element_type3A_323 in 1 : vector<1000x1xf32>, vector<1000x1xf32>, vector<1000x1xf32>, vector<1000x1xf32>, vector<1000x1xf32>, vector<1000x1xf32>, vector<1000x1xf32>, vector<1000x1xf32>, vector<1000x1xf32>, vector<1000x1xf32> -> vector<1000x10xf32>
    %reduce_sum3A_325 = vector.shape_cast %concatenate3A : vector<1000x10xf32> to vector<1x1000x10xf32>
    %reduce_sum3A_326 = arith.constant dense<0.000000e+00> : vector<1xf32>
    %reduce_sum3A_327 = vector.multi_reduction <add>, %reduce_sum3A_325, %reduce_sum3A_326 [1, 2] : vector<1x1000x10xf32> to vector<1xf32>
    %reduce_sum3A_328 = vector.shape_cast %reduce_sum3A_327 : vector<1xf32> to vector<1x1x1xf32>
    %reduce_sum3A_329 = vector.extract %reduce_sum3A_328[0, 0, 0] : f32 from vector<1x1x1xf32>
    %div3A = arith.constant 1.000000e+04 : f32
    %div3A_330 = arith.divf %reduce_sum3A_329, %div3A : f32
    %sub3A_331 = vector.broadcast %div3A_330 : f32 to vector<1000x10xf32>
    %sub3A_332 = arith.subf %concatenate3A, %sub3A_331 : vector<1000x10xf32>
    %integer_pow3A = arith.mulf %sub3A_332, %sub3A_332 : vector<1000x10xf32>
    %reduce_sum3A_333 = vector.shape_cast %integer_pow3A : vector<1000x10xf32> to vector<1x1000x10xf32>
    %reduce_sum3A_334 = arith.constant dense<0.000000e+00> : vector<1xf32>
    %reduce_sum3A_335 = vector.multi_reduction <add>, %reduce_sum3A_333, %reduce_sum3A_334 [1, 2] : vector<1x1000x10xf32> to vector<1xf32>
    %reduce_sum3A_336 = vector.shape_cast %reduce_sum3A_335 : vector<1xf32> to vector<1x1x1xf32>
    %reduce_sum3A_337 = vector.extract %reduce_sum3A_336[0, 0, 0] : f32 from vector<1x1x1xf32>
    %div3A_338 = arith.constant 1.000000e+04 : f32
    %div3A_339 = arith.divf %reduce_sum3A_337, %div3A_338 : f32
    %sub3A_340 = vector.broadcast %div3A_330 : f32 to vector<1000x10xf32>
    %sub3A_341 = arith.subf %concatenate3A, %sub3A_340 : vector<1000x10xf32>
    %add3A_342 = arith.constant 9.99999974E-6 : f32
    %add3A_343 = arith.addf %div3A_339, %add3A_342 : f32
    %sqrt3A = math.sqrt %add3A_343 : f32
    %div3A_344 = vector.broadcast %sqrt3A : f32 to vector<1000x10xf32>
    %div3A_345 = arith.divf %sub3A_341, %div3A_344 : vector<1000x10xf32>
    %get3A_346 = arith.constant 0 : index
    %get3A_347 = arith.constant 0 : index
    %get3A_348 = vector.load %arg2[%get3A_346, %get3A_347] : memref<1x1xf32, #tpu.memory_space<vmem>>, vector<1x1xf32>
    %get3A_349 = vector.extract %get3A_348[0, 0] : f32 from vector<1x1xf32>
    %mul3A_350 = vector.broadcast %get3A_349 : f32 to vector<1000x10xf32>
    %mul3A_351 = arith.mulf %div3A_345, %mul3A_350 : vector<1000x10xf32>
    %get3A_352 = arith.constant 0 : index
    %get3A_353 = arith.constant 0 : index
    %get3A_354 = vector.load %arg3[%get3A_352, %get3A_353] : memref<1x1xf32, #tpu.memory_space<vmem>>, vector<1x1xf32>
    %get3A_355 = vector.extract %get3A_354[0, 0] : f32 from vector<1x1xf32>
    %add3A_356 = vector.broadcast %get3A_355 : f32 to vector<1000x10xf32>
    %add3A_357 = arith.addf %mul3A_351, %add3A_356 : vector<1000x10xf32>
    %logistic3A = arith.negf %add3A_357 : vector<1000x10xf32>
    %logistic3A_358 = math.exp %logistic3A : vector<1000x10xf32>
    %logistic3A_359 = arith.constant 1.000000e+00 : f32
    %logistic3A_360 = vector.broadcast %logistic3A_359 : f32 to vector<1000x10xf32>
    %logistic3A_361 = arith.addf %logistic3A_360, %logistic3A_358 : vector<1000x10xf32>
    %logistic3A_362 = arith.divf %logistic3A_360, %logistic3A_361 : vector<1000x10xf32>
    %mul3A_363 = arith.mulf %logistic3A_362, %concatenate3A_324 : vector<1000x10xf32>
    %swap3A = arith.constant 0 : index
    %swap3A_364 = arith.constant 0 : index
    %swap3A_365 = vector.load %arg5[%swap3A, %swap3A_364] : memref<1000x10xf32, #tpu.memory_space<vmem>>, vector<1000x10xf32>
    tpu.vector_store %arg5[%swap3A, %swap3A_364], %mul3A_363 {strides = array<i32>} : memref<1000x10xf32, #tpu.memory_space<vmem>>, vector<1000x10xf32>,
    %concatenate3A_366 = tpu.concatenate %broadcast_in_dim3A_32, %broadcast_in_dim3A_61, %broadcast_in_dim3A_92, %broadcast_in_dim3A_123, %broadcast_in_dim3A_154, %broadcast_in_dim3A_185, %broadcast_in_dim3A_216, %broadcast_in_dim3A_247, %broadcast_in_dim3A_278, %broadcast_in_dim3A_309 in 1 : vector<1000x1xi32>, vector<1000x1xi32>, vector<1000x1xi32>, vector<1000x1xi32>, vector<1000x1xi32>, vector<1000x1xi32>, vector<1000x1xi32>, vector<1000x1xi32>, vector<1000x1xi32>, vector<1000x1xi32> -> vector<1000x10xi32>
    %swap3A_367 = arith.constant 0 : index
    %swap3A_368 = arith.constant 0 : index
    %swap3A_369 = vector.load %arg4[%swap3A_367, %swap3A_368] : memref<1000x10xi32, #tpu.memory_space<vmem>>, vector<1000x10xi32>
    tpu.vector_store %arg4[%swap3A_367, %swap3A_368], %concatenate3A_366 {strides = array<i32>} : memref<1000x10xi32, #tpu.memory_space<vmem>>, vector<1000x10xi32>,
    return
  }
}

module attributes {stable_mosaic.version = 14 : i64} {
  func.func @_k7_body(%arg0: i32, %arg1: memref<2x200x128xf32, #tpu.memory_space<vmem>>, %arg2: memref<2x1000x128xf32, #tpu.memory_space<vmem>>, %arg3: memref<1x2000x1xi32, #tpu.memory_space<vmem>>, %arg4: memref<256x256xf32, #tpu.memory_space<vmem>>, %arg5: memref<1x256xf32, #tpu.memory_space<vmem>>, %arg6: memref<256x128xf32, #tpu.memory_space<vmem>>, %arg7: memref<1x128xf32, #tpu.memory_space<vmem>>, %arg8: memref<200x128xf32, #tpu.memory_space<vmem>>, %arg9: memref<2000x128xf32, #tpu.memory_space<vmem>>, %arg10: memref<2000x128xf32, #tpu.memory_space<vmem>>) attributes {dimension_semantics = [#tpu.dimension_semantics<arbitrary>], iteration_bounds = array<i64: 5>, scalar_prefetch = 0 : i64, scratch_operands = 0 : i64, tpu.core_type = #tpu.core_type<tc>, window_params = [{transform_indices = @transform_0, window_bounds = array<i64: 2, 200, 128>}, {pipeline_mode = #tpu.pipeline_mode<synchronous>, transform_indices = @transform_1, window_bounds = array<i64: 2, 1000, 128>}, {transform_indices = @transform_2, window_bounds = array<i64: 1, 2000, 1>}, {pipeline_mode = #tpu.pipeline_mode<synchronous>, transform_indices = @transform_3, window_bounds = array<i64: 256, 256>}, {pipeline_mode = #tpu.pipeline_mode<synchronous>, transform_indices = @transform_4, window_bounds = array<i64: 1, 256>}, {pipeline_mode = #tpu.pipeline_mode<synchronous>, transform_indices = @transform_5, window_bounds = array<i64: 256, 128>}, {pipeline_mode = #tpu.pipeline_mode<synchronous>, transform_indices = @transform_6, window_bounds = array<i64: 1, 128>}, {transform_indices = @transform_7, window_bounds = array<i64: 200, 128>}, {transform_indices = @transform_8, window_bounds = array<i64: 2000, 128>}, {transform_indices = @transform_9, window_bounds = array<i64: 2000, 128>}]} {
    %get3A = arith.constant 0 : index
    %get3A_0 = arith.constant 0 : index
    %get3A_1 = arith.constant 0 : index
    %get3A_2 = vector.load %arg2[%get3A, %get3A_0, %get3A_1] : memref<2x1000x128xf32, #tpu.memory_space<vmem>>, vector<1x1000x128xf32>
    %get3A_3 = vector.shape_cast %get3A_2 : vector<1x1000x128xf32> to vector<1000x128xf32>
    %get3A_4 = arith.constant 1 : index
    %get3A_5 = arith.constant 0 : index
    %get3A_6 = arith.constant 0 : index
    %get3A_7 = vector.load %arg2[%get3A_4, %get3A_5, %get3A_6] : memref<2x1000x128xf32, #tpu.memory_space<vmem>>, vector<1x1000x128xf32>
    %get3A_8 = vector.shape_cast %get3A_7 : vector<1x1000x128xf32> to vector<1000x128xf32>
    %add3A = arith.addf %get3A_3, %get3A_8 : vector<1000x128xf32>
    %get3A_9 = arith.constant 0 : index
    %get3A_10 = arith.constant 0 : index
    %get3A_11 = arith.constant 0 : index
    %get3A_12 = vector.load %arg1[%get3A_9, %get3A_10, %get3A_11] : memref<2x200x128xf32, #tpu.memory_space<vmem>>, vector<1x200x128xf32>
    %get3A_13 = vector.shape_cast %get3A_12 : vector<1x200x128xf32> to vector<200x128xf32>
    %get3A_14 = arith.constant 1 : index
    %get3A_15 = arith.constant 0 : index
    %get3A_16 = arith.constant 0 : index
    %get3A_17 = vector.load %arg1[%get3A_14, %get3A_15, %get3A_16] : memref<2x200x128xf32, #tpu.memory_space<vmem>>, vector<1x200x128xf32>
    %get3A_18 = vector.shape_cast %get3A_17 : vector<1x200x128xf32> to vector<200x128xf32>
    %add3A_19 = arith.addf %get3A_13, %get3A_18 : vector<200x128xf32>
    %swap3A = arith.constant 0 : index
    %swap3A_20 = arith.constant 0 : index
    %swap3A_21 = vector.load %arg8[%swap3A, %swap3A_20] : memref<200x128xf32, #tpu.memory_space<vmem>>, vector<200x128xf32>
    tpu.vector_store %arg8[%swap3A, %swap3A_20], %add3A_19 {strides = array<i32>} : memref<200x128xf32, #tpu.memory_space<vmem>>, vector<200x128xf32>,
    %get3A_22 = arith.constant 0 : index
    %get3A_23 = arith.constant 0 : index
    %get3A_24 = arith.constant 0 : index
    %get3A_25 = vector.load %arg3[%get3A_22, %get3A_23, %get3A_24] : memref<1x2000x1xi32, #tpu.memory_space<vmem>>, vector<1x2000x1xi32>
    %get3A_26 = vector.shape_cast %get3A_25 : vector<1x2000x1xi32> to vector<2000x1xi32>
    %iota3A = tpu.iota {dimensions = array<i32: 1>} : vector<2000x1000xi32>
    %eq3A = vector.broadcast %get3A_26 : vector<2000x1xi32> to vector<2000x1000xi32>
    %eq3A_27 = arith.cmpi eq, %iota3A, %eq3A : vector<2000x1000xi32>
    %convert_element_type3A = arith.extui %eq3A_27 : vector<2000x1000xi1> to vector<2000x1000xi32>
    %convert_element_type3A_28 = arith.sitofp %convert_element_type3A : vector<2000x1000xi32> to vector<2000x1000xf32>
    %dot_general3A = arith.constant dense<0.000000e+00> : vector<2000x128xf32>
    %dot_general3A_29 = tpu.matmul %convert_element_type3A_28, %add3A, %dot_general3A {dimension_numbers = #tpu.dot_dimension_numbers<[1], [0], [0], [1], [0, 0, 1, 1], [], []>, transpose_lhs_hint = false} : vector<2000x1000xf32>, vector<1000x128xf32>, vector<2000x128xf32> -> vector<2000x128xf32>
    %iota3A_30 = tpu.iota {dimensions = array<i32: 0>} : vector<2000x200xi32>
    %iota3A_31 = tpu.iota {dimensions = array<i32: 1>} : vector<2000x200xi32>
    %jit3A = arith.constant 10 : i32
    %div3A = vector.broadcast %jit3A : i32 to vector<2000x200xi32>
    %div3A_32 = arith.divsi %iota3A_30, %div3A : vector<2000x200xi32>
    %sign3A = arith.constant 0 : i32
    %sign3A_33 = vector.broadcast %sign3A : i32 to vector<2000x200xi32>
    %sign3A_34 = arith.cmpi sgt, %iota3A_30, %sign3A_33 : vector<2000x200xi32>
    %sign3A_35 = arith.extui %sign3A_34 : vector<2000x200xi1> to vector<2000x200xi32>
    %sign3A_36 = arith.constant 0 : i32
    %sign3A_37 = vector.broadcast %sign3A_36 : i32 to vector<2000x200xi32>
    %sign3A_38 = arith.cmpi slt, %iota3A_30, %sign3A_37 : vector<2000x200xi32>
    %sign3A_39 = arith.extui %sign3A_38 : vector<2000x200xi1> to vector<2000x200xi32>
    %sign3A_40 = arith.subi %sign3A_35, %sign3A_39 : vector<2000x200xi32>
    %sign3A_41 = arith.constant 0 : i32
    %sign3A_42 = arith.cmpi sgt, %jit3A, %sign3A_41 : i32
    %sign3A_43 = arith.extui %sign3A_42 : i1 to i32
    %sign3A_44 = arith.constant 0 : i32
    %sign3A_45 = arith.cmpi slt, %jit3A, %sign3A_44 : i32
    %sign3A_46 = arith.extui %sign3A_45 : i1 to i32
    %sign3A_47 = arith.subi %sign3A_43, %sign3A_46 : i32
    %ne3A = vector.broadcast %sign3A_47 : i32 to vector<2000x200xi32>
    %ne3A_48 = arith.cmpi ne, %sign3A_40, %ne3A : vector<2000x200xi32>
    %rem3A = vector.broadcast %jit3A : i32 to vector<2000x200xi32>
    %rem3A_49 = arith.remsi %iota3A_30, %rem3A : vector<2000x200xi32>
    %ne3A_50 = arith.constant 0 : i32
    %ne3A_51 = vector.broadcast %ne3A_50 : i32 to vector<2000x200xi32>
    %ne3A_52 = arith.cmpi ne, %rem3A_49, %ne3A_51 : vector<2000x200xi32>
    %and3A = arith.andi %ne3A_48, %ne3A_52 : vector<2000x200xi1>
    %sub3A = arith.constant 1 : i32
    %sub3A_53 = vector.broadcast %sub3A : i32 to vector<2000x200xi32>
    %sub3A_54 = arith.subi %div3A_32, %sub3A_53 : vector<2000x200xi32>
    %select_n3A = arith.select %and3A, %sub3A_54, %div3A_32 : vector<2000x200xi1>, vector<2000x200xi32>
    %eq3A_55 = arith.cmpi eq, %select_n3A, %iota3A_31 : vector<2000x200xi32>
    %convert_element_type3A_56 = arith.extui %eq3A_55 : vector<2000x200xi1> to vector<2000x200xi32>
    %convert_element_type3A_57 = arith.sitofp %convert_element_type3A_56 : vector<2000x200xi32> to vector<2000x200xf32>
    %dot_general3A_58 = arith.constant dense<0.000000e+00> : vector<2000x128xf32>
    %dot_general3A_59 = tpu.matmul %convert_element_type3A_57, %add3A_19, %dot_general3A_58 {dimension_numbers = #tpu.dot_dimension_numbers<[1], [0], [0], [1], [0, 0, 1, 1], [], []>, transpose_lhs_hint = false} : vector<2000x200xf32>, vector<200x128xf32>, vector<2000x128xf32> -> vector<2000x128xf32>
    %get3A_60 = arith.constant 0 : index
    %get3A_61 = arith.constant 0 : index
    %get3A_62 = vector.load %arg4[%get3A_60, %get3A_61] : memref<256x256xf32, #tpu.memory_space<vmem>>, vector<256x256xf32>
    %slice3A = vector.extract_strided_slice %get3A_62 {offsets = [0, 0], sizes = [128, 256], strides = [1, 1]} : vector<256x256xf32> to vector<128x256xf32>
    %slice3A_63 = vector.extract_strided_slice %get3A_62 {offsets = [128, 0], sizes = [128, 256], strides = [1, 1]} : vector<256x256xf32> to vector<128x256xf32>
    %get3A_64 = arith.constant 0 : index
    %get3A_65 = arith.constant 0 : index
    %get3A_66 = vector.load %arg5[%get3A_64, %get3A_65] : memref<1x256xf32, #tpu.memory_space<vmem>>, vector<1x256xf32>
    %dot_general3A_67 = arith.constant dense<0.000000e+00> : vector<2000x256xf32>
    %dot_general3A_68 = tpu.matmul %dot_general3A_59, %slice3A, %dot_general3A_67 {dimension_numbers = #tpu.dot_dimension_numbers<[1], [0], [0], [1], [0, 0, 1, 1], [], []>, transpose_lhs_hint = false} : vector<2000x128xf32>, vector<128x256xf32>, vector<2000x256xf32> -> vector<2000x256xf32>
    %dot_general3A_69 = arith.constant dense<0.000000e+00> : vector<2000x256xf32>
    %dot_general3A_70 = tpu.matmul %dot_general3A_29, %slice3A_63, %dot_general3A_69 {dimension_numbers = #tpu.dot_dimension_numbers<[1], [0], [0], [1], [0, 0, 1, 1], [], []>, transpose_lhs_hint = false} : vector<2000x128xf32>, vector<128x256xf32>, vector<2000x256xf32> -> vector<2000x256xf32>
    %add3A_71 = arith.addf %dot_general3A_68, %dot_general3A_70 : vector<2000x256xf32>
    %add3A_72 = vector.broadcast %get3A_66 : vector<1x256xf32> to vector<2000x256xf32>
    %add3A_73 = arith.addf %add3A_71, %add3A_72 : vector<2000x256xf32>
    %max3A = arith.constant 0.000000e+00 : f32
    %max3A_74 = vector.broadcast %max3A : f32 to vector<2000x256xf32>
    %max3A_75 = arith.maximumf %add3A_73, %max3A_74 : vector<2000x256xf32>
    %get3A_76 = arith.constant 0 : index
    %get3A_77 = arith.constant 0 : index
    %get3A_78 = vector.load %arg6[%get3A_76, %get3A_77] : memref<256x128xf32, #tpu.memory_space<vmem>>, vector<256x128xf32>
    %dot_general3A_79 = arith.constant dense<0.000000e+00> : vector<2000x128xf32>
    %dot_general3A_80 = tpu.matmul %max3A_75, %get3A_78, %dot_general3A_79 {dimension_numbers = #tpu.dot_dimension_numbers<[1], [0], [0], [1], [0, 0, 1, 1], [], []>, transpose_lhs_hint = false} : vector<2000x256xf32>, vector<256x128xf32>, vector<2000x128xf32> -> vector<2000x128xf32>
    %get3A_81 = arith.constant 0 : index
    %get3A_82 = arith.constant 0 : index
    %get3A_83 = vector.load %arg7[%get3A_81, %get3A_82] : memref<1x128xf32, #tpu.memory_space<vmem>>, vector<1x128xf32>
    %add3A_84 = vector.broadcast %get3A_83 : vector<1x128xf32> to vector<2000x128xf32>
    %add3A_85 = arith.addf %dot_general3A_80, %add3A_84 : vector<2000x128xf32>
    %max3A_86 = arith.constant 0.000000e+00 : f32
    %max3A_87 = vector.broadcast %max3A_86 : f32 to vector<2000x128xf32>
    %max3A_88 = arith.maximumf %add3A_85, %max3A_87 : vector<2000x128xf32>
    %swap3A_89 = arith.constant 0 : index
    %swap3A_90 = arith.constant 0 : index
    %swap3A_91 = vector.load %arg9[%swap3A_89, %swap3A_90] : memref<2000x128xf32, #tpu.memory_space<vmem>>, vector<2000x128xf32>
    tpu.vector_store %arg9[%swap3A_89, %swap3A_90], %max3A_88 {strides = array<i32>} : memref<2000x128xf32, #tpu.memory_space<vmem>>, vector<2000x128xf32>,
    %dot_general3A_92 = arith.constant dense<0.000000e+00> : vector<2000x256xf32>
    %dot_general3A_93 = tpu.matmul %dot_general3A_29, %slice3A, %dot_general3A_92 {dimension_numbers = #tpu.dot_dimension_numbers<[1], [0], [0], [1], [0, 0, 1, 1], [], []>, transpose_lhs_hint = false} : vector<2000x128xf32>, vector<128x256xf32>, vector<2000x256xf32> -> vector<2000x256xf32>
    %dot_general3A_94 = arith.constant dense<0.000000e+00> : vector<2000x256xf32>
    %dot_general3A_95 = tpu.matmul %dot_general3A_59, %slice3A_63, %dot_general3A_94 {dimension_numbers = #tpu.dot_dimension_numbers<[1], [0], [0], [1], [0, 0, 1, 1], [], []>, transpose_lhs_hint = false} : vector<2000x128xf32>, vector<128x256xf32>, vector<2000x256xf32> -> vector<2000x256xf32>
    %add3A_96 = arith.addf %dot_general3A_93, %dot_general3A_95 : vector<2000x256xf32>
    %add3A_97 = vector.broadcast %get3A_66 : vector<1x256xf32> to vector<2000x256xf32>
    %add3A_98 = arith.addf %add3A_96, %add3A_97 : vector<2000x256xf32>
    %max3A_99 = arith.constant 0.000000e+00 : f32
    %max3A_100 = vector.broadcast %max3A_99 : f32 to vector<2000x256xf32>
    %max3A_101 = arith.maximumf %add3A_98, %max3A_100 : vector<2000x256xf32>
    %get3A_102 = arith.constant 0 : index
    %get3A_103 = arith.constant 0 : index
    %get3A_104 = vector.load %arg6[%get3A_102, %get3A_103] : memref<256x128xf32, #tpu.memory_space<vmem>>, vector<256x128xf32>
    %dot_general3A_105 = arith.constant dense<0.000000e+00> : vector<2000x128xf32>
    %dot_general3A_106 = tpu.matmul %max3A_101, %get3A_104, %dot_general3A_105 {dimension_numbers = #tpu.dot_dimension_numbers<[1], [0], [0], [1], [0, 0, 1, 1], [], []>, transpose_lhs_hint = false} : vector<2000x256xf32>, vector<256x128xf32>, vector<2000x128xf32> -> vector<2000x128xf32>
    %get3A_107 = arith.constant 0 : index
    %get3A_108 = arith.constant 0 : index
    %get3A_109 = vector.load %arg7[%get3A_107, %get3A_108] : memref<1x128xf32, #tpu.memory_space<vmem>>, vector<1x128xf32>
    %add3A_110 = vector.broadcast %get3A_109 : vector<1x128xf32> to vector<2000x128xf32>
    %add3A_111 = arith.addf %dot_general3A_106, %add3A_110 : vector<2000x128xf32>
    %max3A_112 = arith.constant 0.000000e+00 : f32
    %max3A_113 = vector.broadcast %max3A_112 : f32 to vector<2000x128xf32>
    %max3A_114 = arith.maximumf %add3A_111, %max3A_113 : vector<2000x128xf32>
    %swap3A_115 = arith.constant 0 : index
    %swap3A_116 = arith.constant 0 : index
    %swap3A_117 = vector.load %arg10[%swap3A_115, %swap3A_116] : memref<2000x128xf32, #tpu.memory_space<vmem>>, vector<2000x128xf32>
    tpu.vector_store %arg10[%swap3A_115, %swap3A_116], %max3A_114 {strides = array<i32>} : memref<2000x128xf32, #tpu.memory_space<vmem>>, vector<2000x128xf32>,
    return
  }
  func.func @transform_0(%arg0: i32) -> (i32, i32, i32) {
    %c0_i32 = arith.constant 0 : i32
    %c0_i32_0 = arith.constant 0 : i32
    %c0_i32_1 = arith.constant 0 : i32
    return %c0_i32, %arg0, %c0_i32_0 : i32, i32, i32
  }
  func.func @transform_1(%arg0: i32) -> (i32, i32, i32) {
    %c0_i32 = arith.constant 0 : i32
    %c0_i32_0 = arith.constant 0 : i32
    %c0_i32_1 = arith.constant 0 : i32
    %c0_i32_2 = arith.constant 0 : i32
    return %c0_i32, %c0_i32_0, %c0_i32_1 : i32, i32, i32
  }
  func.func @transform_2(%arg0: i32) -> (i32, i32, i32) {
    %c0_i32 = arith.constant 0 : i32
    %c0_i32_0 = arith.constant 0 : i32
    %c0_i32_1 = arith.constant 0 : i32
    return %arg0, %c0_i32, %c0_i32_0 : i32, i32, i32
  }
  func.func @transform_3(%arg0: i32) -> (i32, i32) {
    %c0_i32 = arith.constant 0 : i32
    %c0_i32_0 = arith.constant 0 : i32
    %c0_i32_1 = arith.constant 0 : i32
    return %c0_i32, %c0_i32_0 : i32, i32
  }
  func.func @transform_4(%arg0: i32) -> (i32, i32) {
    %c0_i32 = arith.constant 0 : i32
    %c0_i32_0 = arith.constant 0 : i32
    %c0_i32_1 = arith.constant 0 : i32
    return %c0_i32, %c0_i32_0 : i32, i32
  }
  func.func @transform_5(%arg0: i32) -> (i32, i32) {
    %c0_i32 = arith.constant 0 : i32
    %c0_i32_0 = arith.constant 0 : i32
    %c0_i32_1 = arith.constant 0 : i32
    return %c0_i32, %c0_i32_0 : i32, i32
  }
  func.func @transform_6(%arg0: i32) -> (i32, i32) {
    %c0_i32 = arith.constant 0 : i32
    %c0_i32_0 = arith.constant 0 : i32
    %c0_i32_1 = arith.constant 0 : i32
    return %c0_i32, %c0_i32_0 : i32, i32
  }
  func.func @transform_7(%arg0: i32) -> (i32, i32) {
    %c0_i32 = arith.constant 0 : i32
    %c0_i32_0 = arith.constant 0 : i32
    return %arg0, %c0_i32 : i32, i32
  }
  func.func @transform_8(%arg0: i32) -> (i32, i32) {
    %c0_i32 = arith.constant 0 : i32
    %c0_i32_0 = arith.constant 0 : i32
    return %arg0, %c0_i32 : i32, i32
  }
  func.func @transform_9(%arg0: i32) -> (i32, i32) {
    %c0_i32 = arith.constant 0 : i32
    %c0_i32_0 = arith.constant 0 : i32
    return %arg0, %c0_i32 : i32, i32
  }
}

</mosaic_0001>

<sc_bundles>
// kernel: kernel.10.cloned.1.call-start
scs
__scs_entry_jumppad:
0x0: {  	(pc) =	sbr.rel $0x88, $3  }
0x1: {  	(tag) =	ssettag $0x0;
	lr =	simm.s32 $0x1  }
0x2: {  	[smem:$0x3F8E] =	sst lr;
	_ =	strace $0xD0000000  }
0x3: {  	_ = 	snop  }
0x4: {  	_ = 	snop  }
0x5: {  	_ = 	snop  }
0x6: {  	_ = 	snop  }
0x7: {  	_ = 	snop  }
__scs_overlays_trampoline_lowered:
0x8: {  	[smem:$0x3F9D] =	sst s0  }
0x9: {  	[smem:$0x3F9E] =	sst s1  }
0xa: {  	[smem:$0x3F9F] =	sst s2  }
0xb: {  	[smem:$0x3FA0] =	sst s3  }
0xc: {  	[smem:$0x3FA1] =	sst s4  }
0xd: {  	[smem:$0x3FA2] =	sst s5  }
0xe: {  	[smem:$0x3FA3] =	sst s6  }
0xf: {  	[smem:$0x3FA4] =	sst s7  }
0x10: {  	[smem:$0x3FA5] =	sst s8  }
0x11: {  	[smem:$0x3FA6] =	sst s9;
	s0 =	simm.s32 @!p0 $0x0  }
0x12: {  	s1 =	sld [smem:$0x3F8C];
	s0 =	simm.s32 @p0 $0x1  }
0x13: {  	[smem:$0x3FA7] =	sst s0;
	s0 =	simm.s32 @!p1 $0x0  }
0x14: {  	s2 =	sld [smem:$0x3F8B];
	s0 =	simm.s32 @p1 $0x1  }
0x15: {  	[smem:$0x3FA8] =	sst s0;
	s0 =	simm.s32 @!p2 $0x0  }
0x16: {  	s3 =	sld [smem:$0x3FDB];
	s0 =	simm.s32 @p2 $0x1  }
0x17: {  	s4 =	simm.s32 $0x1BF5;
	[smem:$0x3FAA] =	sst s0  }
0x18: {  	s0 =	sld [smem:$0x3F8D];
	_ =	swait.ge [sflag:s4], $0x0  }
0x19: {  	s7 =	sld [smem:$0x3F8E]  }
0x1a: {  	s8 =	sadd.s32 $0xFFFFE003, lr  }
0x1b: {  	s9 =	sadd.s32 $0xFFFFFEF7, lr;
	s5 =	simm.s32 $0xFFFFFFFF;
	p2 =	slt.u32 s8, $0xFFFFF086  }
0x1c: {  	p1 =	slt.u32 s9, $0xF7A;
	s5 =	simm.s32 @!p2 $0x0  }
0x1d: {  	s5 =	simm.s32 @p1 $0x1;
	p0 =	seq.s32 s7, s2  }
0x1e: {  	s7 =	smul.u32 @!p0 $0xF7A, s2;
	p2 =	seq.s32 @!p0 s5, $0x0  }
0x1f: {  	s9 =	smul.u32 $0xF7A, s1;
	s8 =	simm.s32 @!p0 $0x1BF5;
	p2 =	por !p2, p0  }
0x20: {  	[sflag:s8] =	ssyncset.s32 @!p0 $0xFFFFF086;
	s6 =	sadd.s32 @!p0 s3, s7;
	s7 =	simm.s32 @!p0 $0x108  }
0x21: {  	s3 =	sadd.s32 s3, s9;
	s6 =	sadd.s32 @!p0 $0x88, s6;
	s7 =	simm.s32 @p2 $0x1082  }
0x22: {  	[simem:s7], [sflag:s8] =	dma.local @!p0 [hbm:s6], $0xF7A  }
0x23: {  	s9 =	sor.u32 $0xD0000000, s2;
	s6 =	simm.s32 $0x108;
	_ =	swait.ge @!p0 [sflag:s8], $0x0  }
0x24: {  	s3 =	sadd.s32 $0x88, s3;
	s6 =	simm.s32 @!p1 $0x1082;
	[sflag:s4] =	ssyncset.s32 $0xFFFFF086  }
0x25: {  	[simem:s6], [sflag:s4] =	dma.local [hbm:s3], $0xF7A  }
0x26: {  	[smem:$0x3F8E] =	sst s1;
	(tag) =	ssettag s2;
	_ =	strace s9  }
0x27: {  	s1 =	sld [smem:$0x3F9E]  }
0x28: {  	s2 =	sld [smem:$0x3F9F]  }
0x29: {  	s4 =	sld [smem:$0x3FA1]  }
0x2a: {  	p0 =	seq.s32 s5, $0x0;
	s5 =	sld [smem:$0x3FA2]  }
0x2b: {  	s6 =	sld [smem:$0x3FA3]  }
0x2c: {  	s7 =	sld [smem:$0x3FA4]  }
0x2d: {  	s3 =	simm.s32 $0x108;
	s8 =	sld [smem:$0x3FA5]  }
0x2e: {  	s3 =	simm.s32 @!p0 $0x1082;
	s9 =	sld [smem:$0x3FA6]  }
0x2f: {  	lr =	sadd.s32 s0, s3;
	s0 =	sld [smem:$0x3F9D]  }
0x30: {  	s3 =	sld [smem:$0x3FA0]  }
0x31: {  	[smem:$0x3FA9] =	sst s10  }
0x32: {  	s10 =	sld [smem:$0x3FA7];
	_ =	sdelay $0x3  }
0x33: {  	p0 =	seq.s32 s10, $0x1;
	s10 =	sld [smem:$0x3FA9];
	_ =	sdelay $0x3  }
0x34: {  	[smem:$0x3FA9] =	sst s10  }
0x35: {  	s10 =	sld [smem:$0x3FA8];
	_ =	sdelay $0x3  }
0x36: {  	p1 =	seq.s32 s10, $0x1;
	s10 =	sld [smem:$0x3FA9];
	_ =	sdelay $0x3  }
0x37: {  	[smem:$0x3FA9] =	sst s10  }
0x38: {  	s10 =	sld [smem:$0x3FAA]  }
0x39: {  	_ = 	snop;
	(pc) =	sbr.ind lr, $3  }
0x3a: {  	_ = 	snop  }
0x3b: {  	_ = 	snop  }
0x3c: {  	p2 =	seq.s32 s10, $0x1;
	s10 =	sld [smem:$0x3FA9]  }
0x3d: {  	_ =	shalt  }
0x3e: {  	_ =	shalt  }
0x3f: {  	_ =	shalt  }
0x40: {  	_ =	shalt  }
0x41: {  	_ =	shalt  }
0x42: {  	_ =	shalt  }
0x43: {  	_ =	shalt  }
0x44: {  	_ =	shalt  }
0x45: {  	_ =	shalt  }
0x46: {  	_ =	shalt  }
0x47: {  	_ =	shalt  }
0x48: {  	_ =	shalt  }
0x49: {  	_ =	shalt  }
0x4a: {  	_ =	shalt  }
0x4b: {  	_ =	shalt  }
0x4c: {  	_ =	shalt  }
0x4d: {  	_ =	shalt  }
0x4e: {  	_ =	shalt  }
0x4f: {  	_ =	shalt  }
0x50: {  	_ =	shalt  }
0x51: {  	_ =	shalt  }
0x52: {  	_ =	shalt  }
0x53: {  	_ =	shalt  }
0x54: {  	_ =	shalt  }
0x55: {  	_ =	shalt  }
0x56: {  	_ =	shalt  }
0x57: {  	_ =	shalt  }
0x58: {  	_ =	shalt  }
0x59: {  	_ =	shalt  }
0x5a: {  	_ =	shalt  }
0x5b: {  	_ =	shalt  }
0x5c: {  	_ =	shalt  }
0x5d: {  	_ =	shalt  }
0x5e: {  	_ =	shalt  }
0x5f: {  	_ =	shalt  }
0x60: {  	_ =	shalt  }
0x61: {  	_ =	shalt  }
0x62: {  	_ =	shalt  }
0x63: {  	_ =	shalt  }
0x64: {  	_ =	shalt  }
0x65: {  	_ =	shalt  }
0x66: {  	_ =	shalt  }
0x67: {  	_ =	shalt  }
0x68: {  	_ =	shalt  }
0x69: {  	_ =	shalt  }
0x6a: {  	_ =	shalt  }
0x6b: {  	_ =	shalt  }
0x6c: {  	_ =	shalt  }
0x6d: {  	_ =	shalt  }
0x6e: {  	_ =	shalt  }
0x6f: {  	_ =	shalt  }
0x70: {  	_ =	shalt  }
0x71: {  	_ =	shalt  }
0x72: {  	_ =	shalt  }
0x73: {  	_ =	shalt  }
0x74: {  	_ =	shalt  }
0x75: {  	_ =	shalt  }
0x76: {  	_ =	shalt  }
0x77: {  	_ =	shalt  }
0x78: {  	_ =	shalt  }
0x79: {  	_ =	shalt  }
0x7a: {  	_ =	shalt  }
0x7b: {  	_ =	shalt  }
0x7c: {  	_ =	shalt  }
0x7d: {  	_ =	shalt  }
0x7e: {  	_ =	shalt  }
0x7f: {  	_ =	shalt  }
0x80: {  	_ =	shalt  }
0x81: {  	_ =	shalt  }
0x82: {  	_ =	shalt  }
0x83: {  	_ =	shalt  }
0x84: {  	_ =	shalt  }
0x85: {  	_ =	shalt  }
0x86: {  	_ =	shalt  }
0x87: {  	_ =	shalt  }
.Lfunc_end0:
.L_simem_size_0:
called_computation_lowered:
.L_overlay_start_0:
0x88: {  	s2 =	sld [smem:$0x3FD9]  }
0x89: {  	s3 =	sld [smem:$0x3FFE];
	_ =	sdelay $0x1  }
0x8a: {  	s1 =	srdreg.scid  }
0x8b: {  	s0 =	sand.u32 $0x1, s1  }
0x8c: {  	s14 =	sshll.u32 s0, $0xA;
	s2 =	sadd.s32 s3, s2  }
0x8d: {  	s2 =	sadd.s32 s2, s14  }
0x8e: {  	[smem:$0x3FB5] =	sst s2  }
0x8f: {  	_ = 	snop  }
0x90: {  	s2 =	sld [smem:$0x3FD0];
	_ =	sdelay $0x2  }
0x91: {  	s15 =	simm.s32 $0xA;
	s4 =	simm.s32 $0x10  }
0x92: {  	[smem:s4], [sflag:s15] =	dma.local [hbm:s2], $0x1  }
0x93: {  	_ =	swait.eq [sflag:s15], $0x1  }
0x94: {  	s16 =	sld [smem:$0x11];
	[sflag:s15] =	ssyncset.done $0x0  }
0x95: {  	s17 =	sld [smem:$0x13];
	[sflag:s15] =	ssyncadd.s32 $0xFFFFFFFF  }
0x96: {  	s18 =	sld [smem:$0x14];
	(tm) =	ssettm $0x1  }
0x97: {  	s5 =	sld [smem:$0x3FFB];
	_ =	sdelay $0x3  }
0x98: {  	_ =	strace s5  }
0x99: {  	s5 =	sld [smem:$0x3FFC];
	_ =	sdelay $0x3  }
0x9a: {  	_ =	strace s5  }
0x9b: {  	s5 =	sld [smem:$0x3FFD];
	_ =	sdelay $0x3  }
0x9c: {  	_ =	strace s5  }
0x9d: {  	_ =	strace $0x8FFFFFFF  }
0x9e: {  	s19 =	sld [smem:$0x3FDB];
	_ =	sdelay $0x1  }
0x9f: {  	s6 =	simm.s32 $_scs_section_size  }
0xa0: {  	s7 =	simm.s32 $_size__tile_overlayer_lowered;
	s8 =	simm.s32 $_tile_overlayer_lowered  }
0xa1: {  	s22 =	simm.s32 $0x1BFF;
	s21 =	sshll.u32 s8, $0x1;
	s5 =	sadd.s32 s6, s19  }
0xa2: {  	s9 =	simm.s32 $0x0;
	s20 =	sshll.u32 s7, $0x1;
	s7 =	sadd.s32 s21, s5  }
0xa3: {  	[timem:s9], [sflag:s22] =	dma.local [hbm:s7], s20  }
0xa4: {  	_ =	swait.ge [sflag:s22], s20  }
0xa5: {  	s6 =	ssub.s32 $0x0, s20;
	[sflag:s22] =	ssyncset.done $0x0  }
0xa6: {  	[sflag:s22] =	ssyncadd.s32 s6;
	_ =	sdelay $0x1  }
0xa7: {  	s23 =	simm.s32 $0x1B8B  }
0xa8: {  	_ =	swait.ge [sflag:s23], $0x1  }
0xa9: {  	[sflag:s23] =	ssyncset.done $0x0  }
0xaa: {  	s25 =	simm.s32 $0x1B8E;
	s24 =	sld [smem:$0x3FFE];
	[sflag:s23] =	ssyncadd.s32 $0xFFFFFFFF  }
0xab: {  	s26 =	simm.s32 $execute0_lowered;
	[smem:$0x3FD2] =	sst s25  }
0xac: {  	s7 =	sshll.u32 s26, $0x1;
	_ =	strace $0x80000046;
	[dreg:$0x1] =	wrdreg $0xFFFFFFFF  }
0xad: {  	s28 =	simm.s32 $_size_execute0_lowered;
	s5 =	sadd.s32 s5, s7;
	[dreg:$0x0] =	wrdreg $0x0  }
0xae: {  	s7 =	sshll.u32 s28, $0x1;
	[dreg:$0x2] =	wrdreg s5  }
0xaf: {  	[dreg:$0x3] =	wrdreg s7  }
0xb0: {  	[dreg:$0x4] =	wrdreg $0xC0  }
0xb1: {  	_ =	task [dreg:s9], $0x5FFFF  }
0xb2: {  	[dreg:$0x1] =	wrdreg $0xFFFFFFFF  }
0xb3: {  	[dreg:$0x0] =	wrdreg $0x60  }
0xb4: {  	[dreg:$0x2] =	wrdreg s24  }
0xb5: {  	[dreg:$0x3] =	wrdreg s18  }
0xb6: {  	[dreg:$0x4] =	wrdreg s16  }
0xb7: {  	[dreg:$0x5] =	wrdreg s17  }
0xb8: {  	[dreg:$0x6] =	wrdreg $0x48000  }
0xb9: {  	[dreg:$0x7] =	wrdreg $0x9  }
0xba: {  	_ =	task.clear_ibuf [dreg:s9], $0x8FFFF;
	_ =	strace $0x90000046  }
0xbb: {  	s29 =	simm.s32 $0x9;
	_ =	strace $0x80000048  }
0xbc: {  	_ =	swait.ge [sflag:s29], $0x1  }
0xbd: {  	[sflag:s29] =	ssyncadd.s32 $0xFFFFFFFF  }
0xbe: {  	_ =	strace $0x90000048  }
0xbf: {  	_ =	sfence  }
0xc0: {  	s30 =	sld [smem:$0x0];
	_ =	sdelay $0x2  }
0xc1: {  	s31 =	sshll.u32 s1, $0xD;
	s1 =	sshrl.u32 s1, $0x2  }
0xc2: {  	s3 =	sand.u32 $0x4000, s31;
	s1 =	sadd.s32 s1, s30  }
0xc3: {  	s0 =	sor.u32 s3, s0;
	s1 =	sshll.u32 s1, $0x11  }
0xc4: {  	s0 =	sor.u32 s1, s0  }
0xc5: {  	s0 =	sadd.s32 $0x8F2B, s0  }
0xc6: {  	[sflag:s0] =	ssyncadd.remote.s32 $0x1  }
0xc7: {  	_ =	sfence.sel $0xFFFF  }
0xc8: {  	[dreg:$0x0] =	wrdreg $0xFFFFFFFF;
	(pc) =	sbr.abs _section_cstart, $3  }
0xc9: {  	[dreg:$0x1] =	wrdreg $0xFFFFFFFF  }
0xca: {  	_ =	task.clear_ibuf [dreg:s9], $0x2FFFF;
	_ =	strace $0x9FFFFFFF  }
0xcb: {  	(tm) =	ssettm $0x7FFFFFFF  }
tec
execute0_lowered:
.L_overlay_start_1:
0x0: {  	(tag) =	ssettag $0x1  }
0x1: {  	s4 =	rddreg [dreg:$0x0]  }
0x2: {  	s5 =	rddreg [dreg:$0x1]  }
0x3: {  	s1 =	rddreg [dreg:$0x2]  }
0x4: {  	s6 =	rddreg [dreg:$0x3]  }
0x5: {  	s2 =	rddreg [dreg:$0x4]  }
0x6: {  	s0 =	rddreg [dreg:$0x5]  }
0x7: {  	s7 =	stileid.u32;
	s3 =	simm.s32 $0x0;
	s9 =	srdreg.scid  }
0x8: {  	s8 =	smul.u32 $0xD000, s7;
	[smem:$0x7FF] =	sst s3;
	s9 =	sand.u32 $0x1, s9  }
0x9: {  	s10 =	sshll.u32 s7, $0x9;
	p0 =	sne.s32 s7, $0x0;
	_ =	strace $0x80000047  }
0xa: {  	s30 =	ssub.s32 $0x2, s9;
	s11 =	sshll.u32 s9, $0x8;
	s12 =	smul.u32 $0x3E80, s9  }
0xb: {  	s9 =	smul.u32 $0x6800, s9;
	s10 =	sor.u32 s11, s10;
	s31 =	sshrl.u32 s30, $0x1  }
0xc: {  	s8 =	sadd.s32 s8, s4;
	s11 =	ssub.s32 s30, s31;
	s4 =	sadd.s32 s5, s10  }
0xd: {  	s5 =	sadd.s32 s6, s12;
	s8 =	sadd.s32 s9, s8;
	s9 =	simm.s32 $0x1  }
0xe: {  	s10 =	simm.s32 $0x800;
	s12 =	simm.s32 $0x0;
	s6 =	smax.u32 s11, $0x1  }
0xf: {  	s7 =	sadd.s32 $0x7000, s8;
	s8 =	sshrl.u32 @!p0 s2, $0x3;
	s11 =	simm.s32 $0x80  }
.LBB2_1:
0x10: {  	s13 =	simm.s32 @!p0 $0x1C01  }
0x11: {  	[spmem:s8], [sflag:s13] =	dma.local @!p0 [hbm:s1], $0x3E80  }
0x12: {  	s13 =	simm.s32 @!p0 $0x1  }
0x13: {  	_ =	swait.ge @!p0 [sflag:s13], $0x3E80  }
0x14: {  	[sflag:s13] =	ssyncset.done @!p0 $0x0  }
0x15: {  	[sflag:s13] =	ssyncadd.s32 @!p0 $0xFFFFC180  }
0x16: {  	[bflag:$0x0] =	sbarrier.arrive $0xFFFF  }
0x17: {  	[tilespmem:s3], [sflag:$0x1] =	stream.linear.gather [hbm4b:s4+s3], $0x680, $0x38;
	[tilespmem:$0x6740] =	vst v63  }
0x18: {  	_ =	swait.ge [sflag:s9], $0x680  }
0x19: {  	[sflag:s9] =	ssyncset.done $0x0  }
0x1a: {  	[sflag:s9] =	ssyncadd.s32 $0xFFFFF980  }
0x1b: {  	[tilespmem:s10], [sflag:$0x1] =	stream.linear.gather [hbm4b:s7+s3], $0x4000, $0x38;
	[tilespmem:$0x6740] =	vst v63  }
0x1c: {  	_ =	swait.ge [sflag:s9], $0x4000  }
0x1d: {  	[sflag:s9] =	ssyncset.done $0x0  }
0x1e: {  	s31 =	simm.s32 $0x0;
	[sflag:s9] =	ssyncadd.s32 $0xFFFFC000  }
0x1f: {  	[spmem:s2] =	stream.indirect.scatter.add.f32 [tilespmem:s10], [sflag:$0x1], $0x80, s31, s11, $0xb8;
	[tilespmem:$0x6740] =	vst v63  }
0x20: {  	_ =	swait.ge [sflag:s9], $0x4000  }
0x21: {  	s14 =	smov.u32 s7;
	s13 =	simm.s32 $0x200;
	[sflag:s9] =	ssyncset.done $0x0  }
.LBB2_2:
0x22: {  	p1 =	sne.s32 s13, $0x1800;
	[sflag:s9] =	ssyncadd.s32 $0xFFFFC000;
	s14 =	sadd.s32 $0x800, s14  }
0x23: {  	[tilespmem:s10], [sflag:$0x1] =	stream.linear.gather [hbm4b:s14+s3], $0x4000, $0x38;
	[tilespmem:$0x6740] =	vst v63  }
0x24: {  	s15 =	smov.u32 s13;
	s13 =	sadd.s32 $0x200, s13;
	_ =	swait.ge [sflag:s9], $0x4000  }
.Ltmp0:
0x25: {  	[sflag:s9] =	ssyncset.done $0x0;
	(pc) =	sbr.rel @p1 .LBB2_2-.Ltmp0, $4  }
0x26: {  	s15 =	sshra.s32 s15, $0x2;
	[sflag:s9] =	ssyncadd.s32 $0xFFFFC000  }
0x27: {  	[spmem:s2] =	stream.indirect.scatter.add.f32 [tilespmem:s10], [sflag:$0x1], $0x80, s15, s11, $0xb8;
	[tilespmem:$0x6740] =	vst v63  }
0x28: {  	_ =	swait.ge [sflag:s9], $0x4000  }
0x29: {  	[sflag:s9] =	ssyncset.done $0x0  }
0x2a: {  	[sflag:s9] =	ssyncadd.s32 $0xFFFFC000;
	s12 =	sadd.s32 $0x1, s12  }
0x2b: {  	s13 =	simm.s32 @!p0 $0x1C01;
	[bflag:$0x0] =	sbarrier.arrive $0xFFFF;
	p1 =	sne.s32 s12, s6  }
0x2c: {  	[hbm:s5], [sflag:s13] =	dma.local @!p0 [spmem:s8], $0x3E80  }
.Ltmp1:
0x2d: {  	_ = 	snop;
	(pc) =	sbr.rel @p1 .LBB2_1-.Ltmp1, $4  }
0x2e: {  	s13 =	simm.s32 @!p0 $0x1  }
0x2f: {  	_ =	swait.ge @!p0 [sflag:s13], $0x3E80  }
0x30: {  	[sflag:s13] =	ssyncset.done @!p0 $0x0  }
0x31: {  	[sflag:s13] =	ssyncadd.s32 @!p0 $0xFFFFC180  }
0x32: {  	_ =	sfence.sel $0x180000  }
0x33: {  	[bflag:$0x0] =	sbarrier.arrive $0xFFFF  }
0x34: {  	_ =	strace $0x90000047  }
0x35: {  	s0 =	sadd.s32 @!p0 $0x100000, s0;
	[bflag:$0x2] =	sbarrier.arrive $0xFFFF  }
0x36: {  	[sflag:s0] =	ssyncadd.tile.s32 @!p0 $0x1;
	_ =	shalt  }
.Lfunc_end2:
_tile_overlayer_lowered:
.L_overlay_start_2:
0x37: {  	(tag) =	ssettag $0x2  }
0x38: {  	s0 =	rddreg [dreg:$0x0];
	s2 =	stileid.u32  }
0x39: {  	s1 =	rddreg [dreg:$0x1];
	p0 =	sne.s32 s2, $0x0  }
0x3a: {  	s3 =	rddreg [dreg:$0x2];
	[bflag:$0x3] =	sbarrier.arrive $0xFFFF;
	s2 =	simm.s32 @!p0 $0x1C01  }
0x3b: {  	[timem:s3], [sflag:s2] =	dma.local @!p0 [hbm:s0], s1  }
0x3c: {  	s0 =	simm.s32 @!p0 $0x1  }
0x3d: {  	_ =	swait.ge @!p0 [sflag:s0], s1  }
0x3e: {  	s1 =	ssub.s32 @!p0 $0x0, s1;
	[sflag:s0] =	ssyncset.done @!p0 $0x0  }
0x3f: {  	[sflag:s0] =	ssyncadd.s32 @!p0 s1  }
0x40: {  	[bflag:$0x3] =	sbarrier.arrive $0xFFFF  }
0x41: {  	_ =	shalt  }

// kernel: kernel.13.cloned.1.call-start
scs
__scs_entry_jumppad:
0x0: {  	(pc) =	sbr.rel $0x88, $3  }
0x1: {  	(tag) =	ssettag $0x0;
	lr =	simm.s32 $0x1  }
0x2: {  	[smem:$0x3F8E] =	sst lr;
	_ =	strace $0xD0000000  }
0x3: {  	_ = 	snop  }
0x4: {  	_ = 	snop  }
0x5: {  	_ = 	snop  }
0x6: {  	_ = 	snop  }
0x7: {  	_ = 	snop  }
__scs_overlays_trampoline_lowered:
0x8: {  	[smem:$0x3F9D] =	sst s0  }
0x9: {  	[smem:$0x3F9E] =	sst s1  }
0xa: {  	[smem:$0x3F9F] =	sst s2  }
0xb: {  	[smem:$0x3FA0] =	sst s3  }
0xc: {  	[smem:$0x3FA1] =	sst s4  }
0xd: {  	[smem:$0x3FA2] =	sst s5  }
0xe: {  	[smem:$0x3FA3] =	sst s6  }
0xf: {  	[smem:$0x3FA4] =	sst s7  }
0x10: {  	[smem:$0x3FA5] =	sst s8  }
0x11: {  	[smem:$0x3FA6] =	sst s9;
	s0 =	simm.s32 @!p0 $0x0  }
0x12: {  	s1 =	sld [smem:$0x3F8C];
	s0 =	simm.s32 @p0 $0x1  }
0x13: {  	[smem:$0x3FA7] =	sst s0;
	s0 =	simm.s32 @!p1 $0x0  }
0x14: {  	s2 =	sld [smem:$0x3F8B];
	s0 =	simm.s32 @p1 $0x1  }
0x15: {  	[smem:$0x3FA8] =	sst s0;
	s0 =	simm.s32 @!p2 $0x0  }
0x16: {  	s3 =	sld [smem:$0x3FDB];
	s0 =	simm.s32 @p2 $0x1  }
0x17: {  	s4 =	simm.s32 $0x1BF5;
	[smem:$0x3FAA] =	sst s0  }
0x18: {  	s0 =	sld [smem:$0x3F8D];
	_ =	swait.ge [sflag:s4], $0x0  }
0x19: {  	s7 =	sld [smem:$0x3F8E]  }
0x1a: {  	s8 =	sadd.s32 $0xFFFFE003, lr  }
0x1b: {  	s9 =	sadd.s32 $0xFFFFFEF7, lr;
	s5 =	simm.s32 $0xFFFFFFFF;
	p2 =	slt.u32 s8, $0xFFFFF086  }
0x1c: {  	p1 =	slt.u32 s9, $0xF7A;
	s5 =	simm.s32 @!p2 $0x0  }
0x1d: {  	s5 =	simm.s32 @p1 $0x1;
	p0 =	seq.s32 s7, s2  }
0x1e: {  	s7 =	smul.u32 @!p0 $0xF7A, s2;
	p2 =	seq.s32 @!p0 s5, $0x0  }
0x1f: {  	s9 =	smul.u32 $0xF7A, s1;
	s8 =	simm.s32 @!p0 $0x1BF5;
	p2 =	por !p2, p0  }
0x20: {  	[sflag:s8] =	ssyncset.s32 @!p0 $0xFFFFF086;
	s6 =	sadd.s32 @!p0 s3, s7;
	s7 =	simm.s32 @!p0 $0x108  }
0x21: {  	s3 =	sadd.s32 s3, s9;
	s6 =	sadd.s32 @!p0 $0x88, s6;
	s7 =	simm.s32 @p2 $0x1082  }
0x22: {  	[simem:s7], [sflag:s8] =	dma.local @!p0 [hbm:s6], $0xF7A  }
0x23: {  	s9 =	sor.u32 $0xD0000000, s2;
	s6 =	simm.s32 $0x108;
	_ =	swait.ge @!p0 [sflag:s8], $0x0  }
0x24: {  	s3 =	sadd.s32 $0x88, s3;
	s6 =	simm.s32 @!p1 $0x1082;
	[sflag:s4] =	ssyncset.s32 $0xFFFFF086  }
0x25: {  	[simem:s6], [sflag:s4] =	dma.local [hbm:s3], $0xF7A  }
0x26: {  	[smem:$0x3F8E] =	sst s1;
	(tag) =	ssettag s2;
	_ =	strace s9  }
0x27: {  	s1 =	sld [smem:$0x3F9E]  }
0x28: {  	s2 =	sld [smem:$0x3F9F]  }
0x29: {  	s4 =	sld [smem:$0x3FA1]  }
0x2a: {  	p0 =	seq.s32 s5, $0x0;
	s5 =	sld [smem:$0x3FA2]  }
0x2b: {  	s6 =	sld [smem:$0x3FA3]  }
0x2c: {  	s7 =	sld [smem:$0x3FA4]  }
0x2d: {  	s3 =	simm.s32 $0x108;
	s8 =	sld [smem:$0x3FA5]  }
0x2e: {  	s3 =	simm.s32 @!p0 $0x1082;
	s9 =	sld [smem:$0x3FA6]  }
0x2f: {  	lr =	sadd.s32 s0, s3;
	s0 =	sld [smem:$0x3F9D]  }
0x30: {  	s3 =	sld [smem:$0x3FA0]  }
0x31: {  	[smem:$0x3FA9] =	sst s10  }
0x32: {  	s10 =	sld [smem:$0x3FA7];
	_ =	sdelay $0x3  }
0x33: {  	p0 =	seq.s32 s10, $0x1;
	s10 =	sld [smem:$0x3FA9];
	_ =	sdelay $0x3  }
0x34: {  	[smem:$0x3FA9] =	sst s10  }
0x35: {  	s10 =	sld [smem:$0x3FA8];
	_ =	sdelay $0x3  }
0x36: {  	p1 =	seq.s32 s10, $0x1;
	s10 =	sld [smem:$0x3FA9];
	_ =	sdelay $0x3  }
0x37: {  	[smem:$0x3FA9] =	sst s10  }
0x38: {  	s10 =	sld [smem:$0x3FAA]  }
0x39: {  	_ = 	snop;
	(pc) =	sbr.ind lr, $3  }
0x3a: {  	_ = 	snop  }
0x3b: {  	_ = 	snop  }
0x3c: {  	p2 =	seq.s32 s10, $0x1;
	s10 =	sld [smem:$0x3FA9]  }
0x3d: {  	_ =	shalt  }
0x3e: {  	_ =	shalt  }
0x3f: {  	_ =	shalt  }
0x40: {  	_ =	shalt  }
0x41: {  	_ =	shalt  }
0x42: {  	_ =	shalt  }
0x43: {  	_ =	shalt  }
0x44: {  	_ =	shalt  }
0x45: {  	_ =	shalt  }
0x46: {  	_ =	shalt  }
0x47: {  	_ =	shalt  }
0x48: {  	_ =	shalt  }
0x49: {  	_ =	shalt  }
0x4a: {  	_ =	shalt  }
0x4b: {  	_ =	shalt  }
0x4c: {  	_ =	shalt  }
0x4d: {  	_ =	shalt  }
0x4e: {  	_ =	shalt  }
0x4f: {  	_ =	shalt  }
0x50: {  	_ =	shalt  }
0x51: {  	_ =	shalt  }
0x52: {  	_ =	shalt  }
0x53: {  	_ =	shalt  }
0x54: {  	_ =	shalt  }
0x55: {  	_ =	shalt  }
0x56: {  	_ =	shalt  }
0x57: {  	_ =	shalt  }
0x58: {  	_ =	shalt  }
0x59: {  	_ =	shalt  }
0x5a: {  	_ =	shalt  }
0x5b: {  	_ =	shalt  }
0x5c: {  	_ =	shalt  }
0x5d: {  	_ =	shalt  }
0x5e: {  	_ =	shalt  }
0x5f: {  	_ =	shalt  }
0x60: {  	_ =	shalt  }
0x61: {  	_ =	shalt  }
0x62: {  	_ =	shalt  }
0x63: {  	_ =	shalt  }
0x64: {  	_ =	shalt  }
0x65: {  	_ =	shalt  }
0x66: {  	_ =	shalt  }
0x67: {  	_ =	shalt  }
0x68: {  	_ =	shalt  }
0x69: {  	_ =	shalt  }
0x6a: {  	_ =	shalt  }
0x6b: {  	_ =	shalt  }
0x6c: {  	_ =	shalt  }
0x6d: {  	_ =	shalt  }
0x6e: {  	_ =	shalt  }
0x6f: {  	_ =	shalt  }
0x70: {  	_ =	shalt  }
0x71: {  	_ =	shalt  }
0x72: {  	_ =	shalt  }
0x73: {  	_ =	shalt  }
0x74: {  	_ =	shalt  }
0x75: {  	_ =	shalt  }
0x76: {  	_ =	shalt  }
0x77: {  	_ =	shalt  }
0x78: {  	_ =	shalt  }
0x79: {  	_ =	shalt  }
0x7a: {  	_ =	shalt  }
0x7b: {  	_ =	shalt  }
0x7c: {  	_ =	shalt  }
0x7d: {  	_ =	shalt  }
0x7e: {  	_ =	shalt  }
0x7f: {  	_ =	shalt  }
0x80: {  	_ =	shalt  }
0x81: {  	_ =	shalt  }
0x82: {  	_ =	shalt  }
0x83: {  	_ =	shalt  }
0x84: {  	_ =	shalt  }
0x85: {  	_ =	shalt  }
0x86: {  	_ =	shalt  }
0x87: {  	_ =	shalt  }
.Lfunc_end0:
.L_simem_size_0:
called_computation.1_lowered:
.L_overlay_start_0:
0x88: {  	s2 =	sld [smem:$0x3FD9]  }
0x89: {  	s3 =	sld [smem:$0x3FFE];
	_ =	sdelay $0x1  }
0x8a: {  	s1 =	srdreg.scid  }
0x8b: {  	s0 =	sand.u32 $0x1, s1  }
0x8c: {  	s14 =	sshll.u32 s0, $0xA;
	s2 =	sadd.s32 s3, s2  }
0x8d: {  	s2 =	sadd.s32 s2, s14  }
0x8e: {  	[smem:$0x3FB5] =	sst s2  }
0x8f: {  	_ = 	snop  }
0x90: {  	s2 =	sld [smem:$0x3FD0];
	_ =	sdelay $0x2  }
0x91: {  	s15 =	simm.s32 $0xA;
	s4 =	simm.s32 $0x10  }
0x92: {  	[smem:s4], [sflag:s15] =	dma.local [hbm:s2], $0x1  }
0x93: {  	_ =	swait.eq [sflag:s15], $0x1  }
0x94: {  	[sflag:s15] =	ssyncset.done $0x0  }
0x95: {  	s16 =	sld [smem:$0x11];
	[sflag:s15] =	ssyncadd.s32 $0xFFFFFFFF  }
0x96: {  	s17 =	sld [smem:$0x12];
	(tm) =	ssettm $0x1  }
0x97: {  	s18 =	sld [smem:$0x3FFB];
	_ =	sdelay $0x3  }
0x98: {  	_ =	strace s18  }
0x99: {  	s4 =	sld [smem:$0x3FFC];
	_ =	sdelay $0x3  }
0x9a: {  	_ =	strace s4  }
0x9b: {  	s4 =	sld [smem:$0x3FFD];
	_ =	sdelay $0x3  }
0x9c: {  	_ =	strace s4  }
0x9d: {  	_ =	strace $0x8FFFFFFF  }
0x9e: {  	s19 =	sld [smem:$0x3FDB];
	_ =	sdelay $0x1  }
0x9f: {  	s5 =	simm.s32 $_scs_section_size  }
0xa0: {  	s6 =	simm.s32 $_size__tile_overlayer_lowered;
	s7 =	simm.s32 $_tile_overlayer_lowered  }
0xa1: {  	s22 =	simm.s32 $0x1BFF;
	s21 =	sshll.u32 s7, $0x1;
	s4 =	sadd.s32 s5, s19  }
0xa2: {  	s8 =	simm.s32 $0x0;
	s20 =	sshll.u32 s6, $0x1;
	s6 =	sadd.s32 s21, s4  }
0xa3: {  	[timem:s8], [sflag:s22] =	dma.local [hbm:s6], s20  }
0xa4: {  	_ =	swait.ge [sflag:s22], s20  }
0xa5: {  	s5 =	ssub.s32 $0x0, s20;
	[sflag:s22] =	ssyncset.done $0x0  }
0xa6: {  	[sflag:s22] =	ssyncadd.s32 s5;
	_ =	sdelay $0x1  }
0xa7: {  	s23 =	simm.s32 $0x1B8B  }
0xa8: {  	_ =	swait.ge [sflag:s23], $0x1  }
0xa9: {  	[sflag:s23] =	ssyncset.done $0x0  }
0xaa: {  	s25 =	simm.s32 $0x1B8E;
	s24 =	sld [smem:$0x3FFE];
	[sflag:s23] =	ssyncadd.s32 $0xFFFFFFFF  }
0xab: {  	s26 =	simm.s32 $execute0_lowered;
	[smem:$0x3FD2] =	sst s25  }
0xac: {  	s6 =	sshll.u32 s26, $0x1;
	_ =	strace $0x80000049;
	[dreg:$0x1] =	wrdreg $0xFFFFFFFF  }
0xad: {  	s28 =	simm.s32 $_size_execute0_lowered;
	s4 =	sadd.s32 s4, s6;
	[dreg:$0x0] =	wrdreg $0x0  }
0xae: {  	s6 =	sshll.u32 s28, $0x1;
	[dreg:$0x2] =	wrdreg s4  }
0xaf: {  	[dreg:$0x3] =	wrdreg s6  }
0xb0: {  	[dreg:$0x4] =	wrdreg $0xC0  }
0xb1: {  	_ =	task [dreg:s8], $0x5FFFF  }
0xb2: {  	[dreg:$0x1] =	wrdreg $0xFFFFFFFF  }
0xb3: {  	[dreg:$0x0] =	wrdreg $0x60  }
0xb4: {  	[dreg:$0x2] =	wrdreg s24  }
0xb5: {  	[dreg:$0x3] =	wrdreg s16  }
0xb6: {  	[dreg:$0x4] =	wrdreg s17  }
0xb7: {  	[dreg:$0x5] =	wrdreg $0x54000  }
0xb8: {  	[dreg:$0x6] =	wrdreg $0x9  }
0xb9: {  	_ =	task.clear_ibuf [dreg:s8], $0x7FFFF;
	_ =	strace $0x90000049  }
0xba: {  	s29 =	simm.s32 $0x9;
	_ =	strace $0x8000004B  }
0xbb: {  	_ =	swait.ge [sflag:s29], $0x1  }
0xbc: {  	[sflag:s29] =	ssyncadd.s32 $0xFFFFFFFF  }
0xbd: {  	_ =	strace $0x9000004B  }
0xbe: {  	_ =	sfence  }
0xbf: {  	s30 =	sld [smem:$0x0];
	_ =	sdelay $0x2  }
0xc0: {  	s31 =	sshll.u32 s1, $0xD;
	s1 =	sshrl.u32 s1, $0x2  }
0xc1: {  	s3 =	sand.u32 $0x4000, s31;
	s1 =	sadd.s32 s1, s30  }
0xc2: {  	s0 =	sor.u32 s3, s0;
	s1 =	sshll.u32 s1, $0x11  }
0xc3: {  	s0 =	sor.u32 s1, s0  }
0xc4: {  	s0 =	sadd.s32 $0x8F2B, s0  }
0xc5: {  	[sflag:s0] =	ssyncadd.remote.s32 $0x1  }
0xc6: {  	_ =	sfence.sel $0xFFFF  }
0xc7: {  	[dreg:$0x0] =	wrdreg $0xFFFFFFFF;
	(pc) =	sbr.abs _section_cstart, $3  }
0xc8: {  	[dreg:$0x1] =	wrdreg $0xFFFFFFFF  }
0xc9: {  	_ =	task.clear_ibuf [dreg:s8], $0x2FFFF;
	_ =	strace $0x9FFFFFFF  }
0xca: {  	(tm) =	ssettm $0x7FFFFFFF  }
0xcb: {  	_ =	shalt  }
tec
execute0_lowered:
.L_overlay_start_1:
0x0: {  	(tag) =	ssettag $0x1  }
0x1: {  	s4 =	rddreg [dreg:$0x0]  }
0x2: {  	s1 =	rddreg [dreg:$0x1]  }
0x3: {  	s5 =	rddreg [dreg:$0x2]  }
0x4: {  	s2 =	rddreg [dreg:$0x3]  }
0x5: {  	s0 =	rddreg [dreg:$0x4];
	s6 =	srdreg.scid  }
0x6: {  	s7 =	stileid.u32;
	s3 =	simm.s32 $0x0;
	s6 =	sand.u32 $0x1, s6  }
0x7: {  	s8 =	sshll.u32 s7, $0x1;
	[smem:$0x7FF] =	sst s3;
	s9 =	smul.u32 $0x25000, s7  }
0x8: {  	p0 =	sne.s32 s7, $0x0;
	s8 =	sor.u32 s6, s8;
	s11 =	smul.u32 $0x3E80, s6  }
0x9: {  	_ =	strace $0x8000004A;
	s10 =	ssub.s32 $0x2, s6;
	s12 =	smul.u32 $0x12800, s6  }
0xa: {  	s8 =	smul.u32 $0x280, s8;
	s9 =	sadd.s32 s9, s4;
	s29 =	sshrl.u32 s10, $0x1  }
0xb: {  	s30 =	ssub.s32 s10, s29;
	s5 =	sadd.s32 s5, s11;
	s31 =	sadd.s32 s12, s9  }
0xc: {  	s9 =	simm.s32 $0x1;
	s10 =	simm.s32 $0x1400;
	s11 =	simm.s32 $0x80  }
0xd: {  	s12 =	simm.s32 $0x0;
	s4 =	sadd.s32 s8, s4;
	s6 =	smax.u32 s30, $0x1  }
0xe: {  	s7 =	sadd.s32 $0x6EA400, s31;
	s8 =	sshrl.u32 @!p0 s2, $0x3;
	s4 =	sadd.s32 $0x3D7E00, s4  }
.LBB2_1:
0xf: {  	s13 =	simm.s32 @!p0 $0x1C01  }
0x10: {  	[spmem:s8], [sflag:s13] =	dma.local @!p0 [hbm:s1], $0x3E80  }
0x11: {  	s13 =	simm.s32 @!p0 $0x1  }
0x12: {  	_ =	swait.ge @!p0 [sflag:s13], $0x3E80  }
0x13: {  	[sflag:s13] =	ssyncset.done @!p0 $0x0  }
0x14: {  	[sflag:s13] =	ssyncadd.s32 @!p0 $0xFFFFC180  }
0x15: {  	[bflag:$0x0] =	sbarrier.arrive $0xFFFF  }
0x16: {  	[tilespmem:s3], [sflag:$0x1] =	stream.linear.gather [hbm4b:s4+s3], $0x1280, $0x38;
	[tilespmem:$0x7340] =	vst v63  }
0x17: {  	_ =	swait.ge [sflag:s9], $0x1280  }
0x18: {  	[sflag:s9] =	ssyncset.done $0x0  }
0x19: {  	[sflag:s9] =	ssyncadd.s32 $0xFFFFED80  }
0x1a: {  	[tilespmem:s10], [sflag:$0x1] =	stream.linear.gather [hbm4b:s7+s3], $0x4000, $0x38;
	[tilespmem:$0x7340] =	vst v63  }
0x1b: {  	_ =	swait.ge [sflag:s9], $0x4000  }
0x1c: {  	[sflag:s9] =	ssyncset.done $0x0  }
0x1d: {  	s31 =	simm.s32 $0x0;
	[sflag:s9] =	ssyncadd.s32 $0xFFFFC000  }
0x1e: {  	[spmem:s2] =	stream.indirect.scatter.add.f32 [tilespmem:s10], [sflag:$0x1], $0x80, s31, s11, $0xb8;
	[tilespmem:$0x7340] =	vst v63  }
0x1f: {  	_ =	swait.ge [sflag:s9], $0x4000  }
0x20: {  	s14 =	smov.u32 s7;
	s13 =	simm.s32 $0x200;
	[sflag:s9] =	ssyncset.done $0x0  }
.LBB2_2:
0x21: {  	p1 =	sne.s32 s13, $0x4800;
	[sflag:s9] =	ssyncadd.s32 $0xFFFFC000;
	s14 =	sadd.s32 $0x800, s14  }
0x22: {  	[tilespmem:s10], [sflag:$0x1] =	stream.linear.gather [hbm4b:s14+s3], $0x4000, $0x38;
	[tilespmem:$0x7340] =	vst v63  }
0x23: {  	s15 =	smov.u32 s13;
	s13 =	sadd.s32 $0x200, s13;
	_ =	swait.ge [sflag:s9], $0x4000  }
.Ltmp0:
0x24: {  	[sflag:s9] =	ssyncset.done $0x0;
	(pc) =	sbr.rel @p1 .LBB2_2-.Ltmp0, $4  }
0x25: {  	s15 =	sshra.s32 s15, $0x2;
	[sflag:s9] =	ssyncadd.s32 $0xFFFFC000  }
0x26: {  	[spmem:s2] =	stream.indirect.scatter.add.f32 [tilespmem:s10], [sflag:$0x1], $0x80, s15, s11, $0xb8;
	[tilespmem:$0x7340] =	vst v63  }
0x27: {  	_ =	swait.ge [sflag:s9], $0x4000  }
0x28: {  	[sflag:s9] =	ssyncset.done $0x0  }
0x29: {  	[sflag:s9] =	ssyncadd.s32 $0xFFFFC000;
	s12 =	sadd.s32 $0x1, s12  }
0x2a: {  	s13 =	simm.s32 @!p0 $0x1C01;
	[bflag:$0x0] =	sbarrier.arrive $0xFFFF;
	p1 =	sne.s32 s12, s6  }
0x2b: {  	[hbm:s5], [sflag:s13] =	dma.local @!p0 [spmem:s8], $0x3E80  }
.Ltmp1:
0x2c: {  	_ = 	snop;
	(pc) =	sbr.rel @p1 .LBB2_1-.Ltmp1, $4  }
0x2d: {  	s13 =	simm.s32 @!p0 $0x1  }
0x2e: {  	_ =	swait.ge @!p0 [sflag:s13], $0x3E80  }
0x2f: {  	[sflag:s13] =	ssyncset.done @!p0 $0x0  }
0x30: {  	[sflag:s13] =	ssyncadd.s32 @!p0 $0xFFFFC180  }
0x31: {  	_ =	sfence.sel $0x180000  }
0x32: {  	[bflag:$0x0] =	sbarrier.arrive $0xFFFF  }
0x33: {  	_ =	strace $0x9000004A  }
0x34: {  	s0 =	sadd.s32 @!p0 $0x100000, s0;
	[bflag:$0x2] =	sbarrier.arrive $0xFFFF  }
0x35: {  	[sflag:s0] =	ssyncadd.tile.s32 @!p0 $0x1;
	_ =	shalt  }
.Lfunc_end2:
_tile_overlayer_lowered:
.L_overlay_start_2:
0x36: {  	(tag) =	ssettag $0x2  }
0x37: {  	s0 =	rddreg [dreg:$0x0];
	s2 =	stileid.u32  }
0x38: {  	s1 =	rddreg [dreg:$0x1];
	p0 =	sne.s32 s2, $0x0  }
0x39: {  	s3 =	rddreg [dreg:$0x2];
	[bflag:$0x3] =	sbarrier.arrive $0xFFFF;
	s2 =	simm.s32 @!p0 $0x1C01  }
0x3a: {  	[timem:s3], [sflag:s2] =	dma.local @!p0 [hbm:s0], s1  }
0x3b: {  	s0 =	simm.s32 @!p0 $0x1  }
0x3c: {  	_ =	swait.ge @!p0 [sflag:s0], s1  }
0x3d: {  	s1 =	ssub.s32 @!p0 $0x0, s1;
	[sflag:s0] =	ssyncset.done @!p0 $0x0  }
0x3e: {  	[sflag:s0] =	ssyncadd.s32 @!p0 s1  }
0x3f: {  	[bflag:$0x3] =	sbarrier.arrive $0xFFFF  }
0x40: {  	_ =	shalt  }

</sc_bundles>
